<compile_context>
chip_gen: v7x
topology: tpu7x:2x2x1
jax: 0.10.2.dev20260603
libtpu: 0.0.44.dev20260713+nightly
codegen_flags: <defaults>
</compile_context>

<pallas_src>
import functools

import jax
import jax.numpy as jnp
import numpy as np
from jax import lax
from jax.experimental import pallas as pl
from jax.experimental.pallas import tpu as pltpu
from jax.experimental.pallas import tpu_sc as plsc

NUM_HEADS = 16
MAX_REL = 128
SEQ = 2048
VOCAB = 2 * MAX_REL + 1
NUM_WORKERS = 32
GROUPS = NUM_HEADS * SEQ // 8
GROUPS_PER_W = GROUPS // NUM_WORKERS
BANK_W = 4096
BAND_START = 1904
BAND_W = 288
BAND_STRIDE = 384
FILL_W = BANK_W - BAND_START - BAND_W
FILL_STRIDE = 1920
STG_T0 = 8 * BAND_STRIDE
STG_T256 = STG_T0 + FILL_STRIDE
STG_N = STG_T256 + FILL_STRIDE


def _build_kernel():
    mesh = plsc.VectorSubcoreMesh(core_axis_name="c", subcore_axis_name="s")

    @functools.partial(
        pl.kernel,
        mesh=mesh,
        out_type=jax.ShapeDtypeStruct((NUM_HEADS, SEQ // 8, 8, SEQ),
                                      jnp.float32),
        scratch_types=[
            pltpu.VMEM((8 * BANK_W,), jnp.float32),
            pltpu.VMEM((2, 8, SEQ), jnp.float32),
            pltpu.SemaphoreType.DMA,
            pltpu.SemaphoreType.DMA,
        ],
    )
    def _k(stg_hbm, out_hbm, banks_v, grp_v, bsem, sem):
        wid = lax.axis_index("s") * 2 + lax.axis_index("c")

        bdescs = []
        for r in range(8):
            base = r * BANK_W
            bdescs.append(pltpu.async_copy(
                stg_hbm.at[pl.ds(STG_T0, FILL_W)],
                banks_v.at[pl.ds(base, FILL_W)], bsem))
            bdescs.append(pltpu.async_copy(
                stg_hbm.at[pl.ds(r * BAND_STRIDE, BAND_W)],
                banks_v.at[pl.ds(base + BAND_START, BAND_W)], bsem))
            bdescs.append(pltpu.async_copy(
                stg_hbm.at[pl.ds(STG_T256, FILL_W)],
                banks_v.at[pl.ds(base + BAND_START + BAND_W, FILL_W)], bsem))
        for d in bdescs:
            d.wait()

        g0 = wid * GROUPS_PER_W

        def fill(g, buf):
            i0 = (g << 3) & (SEQ - 1)
            s0 = (SEQ - 1) - i0
            q0 = pl.multiple_of(s0 - 7, 8)

            @plsc.parallel_loop(0, SEQ, step=32, unroll=2)
            def body(col):
                vals = []
                for k in range(8):
                    for u in range(2):
                        src = pl.multiple_of(
                            (7 - k) * BANK_W + q0 + col + u * 16, 8)
                        vals.append(banks_v[pl.ds(src, 16)])
                n = 0
                for k in range(8):
                    for u in range(2):
                        grp_v[buf, k, pl.ds(col + u * 16, 16)] = vals[n]
                        n += 1

        def fire(g, buf):
            h = g >> 8
            a = g & (SEQ // 8 - 1)
            pltpu.async_copy(grp_v.at[buf], out_hbm.at[h, a], sem)

        fill(g0, 0)
        fire(g0, 0)

        def body(n, carry):
            g = g0 + n + 1
            buf = (n + 1) & 1
            fill(g, buf)
            fire(g, buf)
            pltpu.make_async_copy(
                grp_v.at[0], out_hbm.at[0, 0], sem).wait()
            return carry

        lax.fori_loop(0, GROUPS_PER_W - 1, body, 0)
        pltpu.make_async_copy(grp_v.at[0], out_hbm.at[0, 0], sem).wait()

    return _k


_K = _build_kernel()


def _staging_matrix():
    idx = np.empty((STG_N,), dtype=np.int64)
    for r in range(8):
        base = r * BAND_STRIDE
        idx[base:base + BAND_STRIDE] = np.clip(
            np.arange(BAND_STRIDE) - (15 - r), 0, VOCAB - 1)
    idx[STG_T0:STG_T0 + FILL_STRIDE] = 0
    idx[STG_T256:STG_T256 + FILL_STRIDE] = VOCAB - 1
    return np.eye(VOCAB, dtype=np.float32)[idx]


_SEL = _staging_matrix()


def kernel(seq_len, table):
    del seq_len
    staged = jnp.matmul(
        _SEL, table, precision=jax.lax.Precision.HIGHEST
    ).reshape(STG_N)
    out = _K(staged)
    return out.reshape(NUM_HEADS, SEQ, SEQ)

# --- scband reference (transcript-rebuilt; emitter-appended) ---
"""Pipeline reference for scband-relative-positional-embedding-67980742361763 (READ-ONLY COPY).

The authoritative reference and input builder live on the scoring server;
editing this copy changes nothing except your own understanding.
"""

import jax, jax.numpy as jnp
import numpy as np

NUM_HEADS = 16
MAX_REL = 128
D_HEAD = 1  # d_model // num_heads = 16 // 16
VOCAB = 2 * MAX_REL + 1  # bidirectional
SEQ_LEN = 2048


def setup_inputs(seed: int = 0) -> dict:
    key = jax.random.key(seed)
    table = jax.random.normal(key, (VOCAB, D_HEAD), dtype=jnp.float32) * 0.02
    return {"seq_len": 2048, "table": table}


def reference(seq_len, table):
    # _get_relative_positions
    range_vec = jnp.arange(SEQ_LEN) + (seq_len - SEQ_LEN)
    distance_mat = range_vec[None, :] - range_vec[:, None]
    distance_mat_clipped = jnp.clip(distance_mat, -MAX_REL, MAX_REL)
    final_mat = distance_mat_clipped + MAX_REL  # [S, S] in [0, 2*MAX_REL]
    # embedding lookup (gather)
    relative_embeddings = jnp.take(table, final_mat, axis=0)  # [S, S, d_head]
    # expand over heads and reshape (d_head == 1, so this is valid)
    out = jnp.broadcast_to(relative_embeddings[None], (NUM_HEADS, SEQ_LEN, SEQ_LEN, D_HEAD))
    out = out.reshape(NUM_HEADS, SEQ_LEN, SEQ_LEN)
    return out

if __name__ == "__main__":
    import jax
    _d = setup_inputs()
    print(jax.jit(kernel)(*tuple(_d.values())))

</pallas_src>

<mosaic_0001>
#map = affine_map<(d0, d1) -> (0)>
#map1 = affine_map<(d0, d1) -> (0, 0, 0, 0)>
module attributes {stable_mosaic.version = 14 : i64} {
  func.func @_k(%arg0: i32, %arg1: i32, %arg2: memref<6912xf32, #tpu.memory_space<hbm>>, %arg3: memref<16x256x8x2048xf32, #tpu.memory_space<hbm>>, %arg4: memref<32768xf32, #tpu.memory_space<vmem>>, %arg5: memref<2x8x2048xf32, #tpu.memory_space<vmem>>, %arg6: memref<!tpu.dma_semaphore, #tpu.memory_space<semaphore_mem>>, %arg7: memref<!tpu.dma_semaphore, #tpu.memory_space<semaphore_mem>>) attributes {dimension_semantics = [#tpu.dimension_semantics<core_parallel>, #tpu.dimension_semantics<subcore_parallel>], iteration_bounds = array<i64: 2, 16>, scalar_prefetch = 0 : i64, scratch_operands = 4 : i64, tpu.core_type = #tpu.core_type<sc_vector_subcore>, window_params = [{transform_indices = #map}, {transform_indices = #map1}]} {
    %mul3A = arith.constant 2 : i32
    %mul3A_0 = arith.muli %arg1, %mul3A : i32
    %add3A = arith.addi %mul3A_0, %arg0 : i32
    %dma_start3A = arith.constant 0 : i32
    %dma_start3A_1 = tpu.memref_slice %arg4[%dma_start3A] : memref<32768xf32, #tpu.memory_space<vmem>> -> memref<1904xf32, #tpu.memory_space<vmem>>
    %dma_start3A_2 = arith.constant 3072 : i32
    %dma_start3A_3 = tpu.memref_slice %arg2[%dma_start3A_2] : memref<6912xf32, #tpu.memory_space<hbm>> -> memref<1904xf32, #tpu.memory_space<hbm>>
    %dma_start3A_4 = arith.constant 0 : i32
    %dma_start3A_5 = tpu.memref_slice %arg4[%dma_start3A_4] : memref<32768xf32, #tpu.memory_space<vmem>> -> memref<1904xf32, #tpu.memory_space<vmem>>
    %dma_start3A_6 = arith.constant 3072 : i32
    %dma_start3A_7 = tpu.memref_slice %arg2[%dma_start3A_6] : memref<6912xf32, #tpu.memory_space<hbm>> -> memref<1904xf32, #tpu.memory_space<hbm>>
    tpu.enqueue_dma source(%dma_start3A_7 : memref<1904xf32, #tpu.memory_space<hbm>>) target(%dma_start3A_5 : memref<1904xf32, #tpu.memory_space<vmem>>) target_semaphore(%arg6 : memref<!tpu.dma_semaphore, #tpu.memory_space<semaphore_mem>>)
    %dma_start3A_8 = arith.constant 1904 : i32
    %dma_start3A_9 = tpu.memref_slice %arg4[%dma_start3A_8] : memref<32768xf32, #tpu.memory_space<vmem>> -> memref<288xf32, #tpu.memory_space<vmem>>
    %dma_start3A_10 = arith.constant 0 : i32
    %dma_start3A_11 = tpu.memref_slice %arg2[%dma_start3A_10] : memref<6912xf32, #tpu.memory_space<hbm>> -> memref<288xf32, #tpu.memory_space<hbm>>
    %dma_start3A_12 = arith.constant 1904 : i32
    %dma_start3A_13 = tpu.memref_slice %arg4[%dma_start3A_12] : memref<32768xf32, #tpu.memory_space<vmem>> -> memref<288xf32, #tpu.memory_space<vmem>>
    %dma_start3A_14 = arith.constant 0 : i32
    %dma_start3A_15 = tpu.memref_slice %arg2[%dma_start3A_14] : memref<6912xf32, #tpu.memory_space<hbm>> -> memref<288xf32, #tpu.memory_space<hbm>>
    tpu.enqueue_dma source(%dma_start3A_15 : memref<288xf32, #tpu.memory_space<hbm>>) target(%dma_start3A_13 : memref<288xf32, #tpu.memory_space<vmem>>) target_semaphore(%arg6 : memref<!tpu.dma_semaphore, #tpu.memory_space<semaphore_mem>>)
    %dma_start3A_16 = arith.constant 2192 : i32
    %dma_start3A_17 = tpu.memref_slice %arg4[%dma_start3A_16] : memref<32768xf32, #tpu.memory_space<vmem>> -> memref<1904xf32, #tpu.memory_space<vmem>>
    %dma_start3A_18 = arith.constant 4992 : i32
    %dma_start3A_19 = tpu.memref_slice %arg2[%dma_start3A_18] : memref<6912xf32, #tpu.memory_space<hbm>> -> memref<1904xf32, #tpu.memory_space<hbm>>
    %dma_start3A_20 = arith.constant 2192 : i32
    %dma_start3A_21 = tpu.memref_slice %arg4[%dma_start3A_20] : memref<32768xf32, #tpu.memory_space<vmem>> -> memref<1904xf32, #tpu.memory_space<vmem>>
    %dma_start3A_22 = arith.constant 4992 : i32
    %dma_start3A_23 = tpu.memref_slice %arg2[%dma_start3A_22] : memref<6912xf32, #tpu.memory_space<hbm>> -> memref<1904xf32, #tpu.memory_space<hbm>>
    tpu.enqueue_dma source(%dma_start3A_23 : memref<1904xf32, #tpu.memory_space<hbm>>) target(%dma_start3A_21 : memref<1904xf32, #tpu.memory_space<vmem>>) target_semaphore(%arg6 : memref<!tpu.dma_semaphore, #tpu.memory_space<semaphore_mem>>)
    %dma_start3A_24 = arith.constant 4096 : i32
    %dma_start3A_25 = tpu.memref_slice %arg4[%dma_start3A_24] : memref<32768xf32, #tpu.memory_space<vmem>> -> memref<1904xf32, #tpu.memory_space<vmem>>
    %dma_start3A_26 = arith.constant 3072 : i32
    %dma_start3A_27 = tpu.memref_slice %arg2[%dma_start3A_26] : memref<6912xf32, #tpu.memory_space<hbm>> -> memref<1904xf32, #tpu.memory_space<hbm>>
    %dma_start3A_28 = arith.constant 4096 : i32
    %dma_start3A_29 = tpu.memref_slice %arg4[%dma_start3A_28] : memref<32768xf32, #tpu.memory_space<vmem>> -> memref<1904xf32, #tpu.memory_space<vmem>>
    %dma_start3A_30 = arith.constant 3072 : i32
    %dma_start3A_31 = tpu.memref_slice %arg2[%dma_start3A_30] : memref<6912xf32, #tpu.memory_space<hbm>> -> memref<1904xf32, #tpu.memory_space<hbm>>
    tpu.enqueue_dma source(%dma_start3A_31 : memref<1904xf32, #tpu.memory_space<hbm>>) target(%dma_start3A_29 : memref<1904xf32, #tpu.memory_space<vmem>>) target_semaphore(%arg6 : memref<!tpu.dma_semaphore, #tpu.memory_space<semaphore_mem>>)
    %dma_start3A_32 = arith.constant 6000 : i32
    %dma_start3A_33 = tpu.memref_slice %arg4[%dma_start3A_32] : memref<32768xf32, #tpu.memory_space<vmem>> -> memref<288xf32, #tpu.memory_space<vmem>>
    %dma_start3A_34 = arith.constant 384 : i32
    %dma_start3A_35 = tpu.memref_slice %arg2[%dma_start3A_34] : memref<6912xf32, #tpu.memory_space<hbm>> -> memref<288xf32, #tpu.memory_space<hbm>>
    %dma_start3A_36 = arith.constant 6000 : i32
    %dma_start3A_37 = tpu.memref_slice %arg4[%dma_start3A_36] : memref<32768xf32, #tpu.memory_space<vmem>> -> memref<288xf32, #tpu.memory_space<vmem>>
    %dma_start3A_38 = arith.constant 384 : i32
    %dma_start3A_39 = tpu.memref_slice %arg2[%dma_start3A_38] : memref<6912xf32, #tpu.memory_space<hbm>> -> memref<288xf32, #tpu.memory_space<hbm>>
    tpu.enqueue_dma source(%dma_start3A_39 : memref<288xf32, #tpu.memory_space<hbm>>) target(%dma_start3A_37 : memref<288xf32, #tpu.memory_space<vmem>>) target_semaphore(%arg6 : memref<!tpu.dma_semaphore, #tpu.memory_space<semaphore_mem>>)
    %dma_start3A_40 = arith.constant 6288 : i32
    %dma_start3A_41 = tpu.memref_slice %arg4[%dma_start3A_40] : memref<32768xf32, #tpu.memory_space<vmem>> -> memref<1904xf32, #tpu.memory_space<vmem>>
    %dma_start3A_42 = arith.constant 4992 : i32
    %dma_start3A_43 = tpu.memref_slice %arg2[%dma_start3A_42] : memref<6912xf32, #tpu.memory_space<hbm>> -> memref<1904xf32, #tpu.memory_space<hbm>>
    %dma_start3A_44 = arith.constant 6288 : i32
    %dma_start3A_45 = tpu.memref_slice %arg4[%dma_start3A_44] : memref<32768xf32, #tpu.memory_space<vmem>> -> memref<1904xf32, #tpu.memory_space<vmem>>
    %dma_start3A_46 = arith.constant 4992 : i32
    %dma_start3A_47 = tpu.memref_slice %arg2[%dma_start3A_46] : memref<6912xf32, #tpu.memory_space<hbm>> -> memref<1904xf32, #tpu.memory_space<hbm>>
    tpu.enqueue_dma source(%dma_start3A_47 : memref<1904xf32, #tpu.memory_space<hbm>>) target(%dma_start3A_45 : memref<1904xf32, #tpu.memory_space<vmem>>) target_semaphore(%arg6 : memref<!tpu.dma_semaphore, #tpu.memory_space<semaphore_mem>>)
    %dma_start3A_48 = arith.constant 8192 : i32
    %dma_start3A_49 = tpu.memref_slice %arg4[%dma_start3A_48] : memref<32768xf32, #tpu.memory_space<vmem>> -> memref<1904xf32, #tpu.memory_space<vmem>>
    %dma_start3A_50 = arith.constant 3072 : i32
    %dma_start3A_51 = tpu.memref_slice %arg2[%dma_start3A_50] : memref<6912xf32, #tpu.memory_space<hbm>> -> memref<1904xf32, #tpu.memory_space<hbm>>
    %dma_start3A_52 = arith.constant 8192 : i32
    %dma_start3A_53 = tpu.memref_slice %arg4[%dma_start3A_52] : memref<32768xf32, #tpu.memory_space<vmem>> -> memref<1904xf32, #tpu.memory_space<vmem>>
    %dma_start3A_54 = arith.constant 3072 : i32
    %dma_start3A_55 = tpu.memref_slice %arg2[%dma_start3A_54] : memref<6912xf32, #tpu.memory_space<hbm>> -> memref<1904xf32, #tpu.memory_space<hbm>>
    tpu.enqueue_dma source(%dma_start3A_55 : memref<1904xf32, #tpu.memory_space<hbm>>) target(%dma_start3A_53 : memref<1904xf32, #tpu.memory_space<vmem>>) target_semaphore(%arg6 : memref<!tpu.dma_semaphore, #tpu.memory_space<semaphore_mem>>)
    %dma_start3A_56 = arith.constant 10096 : i32
    %dma_start3A_57 = tpu.memref_slice %arg4[%dma_start3A_56] : memref<32768xf32, #tpu.memory_space<vmem>> -> memref<288xf32, #tpu.memory_space<vmem>>
    %dma_start3A_58 = arith.constant 768 : i32
    %dma_start3A_59 = tpu.memref_slice %arg2[%dma_start3A_58] : memref<6912xf32, #tpu.memory_space<hbm>> -> memref<288xf32, #tpu.memory_space<hbm>>
    %dma_start3A_60 = arith.constant 10096 : i32
    %dma_start3A_61 = tpu.memref_slice %arg4[%dma_start3A_60] : memref<32768xf32, #tpu.memory_space<vmem>> -> memref<288xf32, #tpu.memory_space<vmem>>
    %dma_start3A_62 = arith.constant 768 : i32
    %dma_start3A_63 = tpu.memref_slice %arg2[%dma_start3A_62] : memref<6912xf32, #tpu.memory_space<hbm>> -> memref<288xf32, #tpu.memory_space<hbm>>
    tpu.enqueue_dma source(%dma_start3A_63 : memref<288xf32, #tpu.memory_space<hbm>>) target(%dma_start3A_61 : memref<288xf32, #tpu.memory_space<vmem>>) target_semaphore(%arg6 : memref<!tpu.dma_semaphore, #tpu.memory_space<semaphore_mem>>)
    %dma_start3A_64 = arith.constant 10384 : i32
    %dma_start3A_65 = tpu.memref_slice %arg4[%dma_start3A_64] : memref<32768xf32, #tpu.memory_space<vmem>> -> memref<1904xf32, #tpu.memory_space<vmem>>
    %dma_start3A_66 = arith.constant 4992 : i32
    %dma_start3A_67 = tpu.memref_slice %arg2[%dma_start3A_66] : memref<6912xf32, #tpu.memory_space<hbm>> -> memref<1904xf32, #tpu.memory_space<hbm>>
    %dma_start3A_68 = arith.constant 10384 : i32
    %dma_start3A_69 = tpu.memref_slice %arg4[%dma_start3A_68] : memref<32768xf32, #tpu.memory_space<vmem>> -> memref<1904xf32, #tpu.memory_space<vmem>>
    %dma_start3A_70 = arith.constant 4992 : i32
    %dma_start3A_71 = tpu.memref_slice %arg2[%dma_start3A_70] : memref<6912xf32, #tpu.memory_space<hbm>> -> memref<1904xf32, #tpu.memory_space<hbm>>
    tpu.enqueue_dma source(%dma_start3A_71 : memref<1904xf32, #tpu.memory_space<hbm>>) target(%dma_start3A_69 : memref<1904xf32, #tpu.memory_space<vmem>>) target_semaphore(%arg6 : memref<!tpu.dma_semaphore, #tpu.memory_space<semaphore_mem>>)
    %dma_start3A_72 = arith.constant 12288 : i32
    %dma_start3A_73 = tpu.memref_slice %arg4[%dma_start3A_72] : memref<32768xf32, #tpu.memory_space<vmem>> -> memref<1904xf32, #tpu.memory_space<vmem>>
    %dma_start3A_74 = arith.constant 3072 : i32
    %dma_start3A_75 = tpu.memref_slice %arg2[%dma_start3A_74] : memref<6912xf32, #tpu.memory_space<hbm>> -> memref<1904xf32, #tpu.memory_space<hbm>>
    %dma_start3A_76 = arith.constant 12288 : i32
    %dma_start3A_77 = tpu.memref_slice %arg4[%dma_start3A_76] : memref<32768xf32, #tpu.memory_space<vmem>> -> memref<1904xf32, #tpu.memory_space<vmem>>
    %dma_start3A_78 = arith.constant 3072 : i32
    %dma_start3A_79 = tpu.memref_slice %arg2[%dma_start3A_78] : memref<6912xf32, #tpu.memory_space<hbm>> -> memref<1904xf32, #tpu.memory_space<hbm>>
    tpu.enqueue_dma source(%dma_start3A_79 : memref<1904xf32, #tpu.memory_space<hbm>>) target(%dma_start3A_77 : memref<1904xf32, #tpu.memory_space<vmem>>) target_semaphore(%arg6 : memref<!tpu.dma_semaphore, #tpu.memory_space<semaphore_mem>>)
    %dma_start3A_80 = arith.constant 14192 : i32
    %dma_start3A_81 = tpu.memref_slice %arg4[%dma_start3A_80] : memref<32768xf32, #tpu.memory_space<vmem>> -> memref<288xf32, #tpu.memory_space<vmem>>
    %dma_start3A_82 = arith.constant 1152 : i32
    %dma_start3A_83 = tpu.memref_slice %arg2[%dma_start3A_82] : memref<6912xf32, #tpu.memory_space<hbm>> -> memref<288xf32, #tpu.memory_space<hbm>>
    %dma_start3A_84 = arith.constant 14192 : i32
    %dma_start3A_85 = tpu.memref_slice %arg4[%dma_start3A_84] : memref<32768xf32, #tpu.memory_space<vmem>> -> memref<288xf32, #tpu.memory_space<vmem>>
    %dma_start3A_86 = arith.constant 1152 : i32
    %dma_start3A_87 = tpu.memref_slice %arg2[%dma_start3A_86] : memref<6912xf32, #tpu.memory_space<hbm>> -> memref<288xf32, #tpu.memory_space<hbm>>
    tpu.enqueue_dma source(%dma_start3A_87 : memref<288xf32, #tpu.memory_space<hbm>>) target(%dma_start3A_85 : memref<288xf32, #tpu.memory_space<vmem>>) target_semaphore(%arg6 : memref<!tpu.dma_semaphore, #tpu.memory_space<semaphore_mem>>)
    %dma_start3A_88 = arith.constant 14480 : i32
    %dma_start3A_89 = tpu.memref_slice %arg4[%dma_start3A_88] : memref<32768xf32, #tpu.memory_space<vmem>> -> memref<1904xf32, #tpu.memory_space<vmem>>
    %dma_start3A_90 = arith.constant 4992 : i32
    %dma_start3A_91 = tpu.memref_slice %arg2[%dma_start3A_90] : memref<6912xf32, #tpu.memory_space<hbm>> -> memref<1904xf32, #tpu.memory_space<hbm>>
    %dma_start3A_92 = arith.constant 14480 : i32
    %dma_start3A_93 = tpu.memref_slice %arg4[%dma_start3A_92] : memref<32768xf32, #tpu.memory_space<vmem>> -> memref<1904xf32, #tpu.memory_space<vmem>>
    %dma_start3A_94 = arith.constant 4992 : i32
    %dma_start3A_95 = tpu.memref_slice %arg2[%dma_start3A_94] : memref<6912xf32, #tpu.memory_space<hbm>> -> memref<1904xf32, #tpu.memory_space<hbm>>
    tpu.enqueue_dma source(%dma_start3A_95 : memref<1904xf32, #tpu.memory_space<hbm>>) target(%dma_start3A_93 : memref<1904xf32, #tpu.memory_space<vmem>>) target_semaphore(%arg6 : memref<!tpu.dma_semaphore, #tpu.memory_space<semaphore_mem>>)
    %dma_start3A_96 = arith.constant 16384 : i32
    %dma_start3A_97 = tpu.memref_slice %arg4[%dma_start3A_96] : memref<32768xf32, #tpu.memory_space<vmem>> -> memref<1904xf32, #tpu.memory_space<vmem>>
    %dma_start3A_98 = arith.constant 3072 : i32
    %dma_start3A_99 = tpu.memref_slice %arg2[%dma_start3A_98] : memref<6912xf32, #tpu.memory_space<hbm>> -> memref<1904xf32, #tpu.memory_space<hbm>>
    %dma_start3A_100 = arith.constant 16384 : i32
    %dma_start3A_101 = tpu.memref_slice %arg4[%dma_start3A_100] : memref<32768xf32, #tpu.memory_space<vmem>> -> memref<1904xf32, #tpu.memory_space<vmem>>
    %dma_start3A_102 = arith.constant 3072 : i32
    %dma_start3A_103 = tpu.memref_slice %arg2[%dma_start3A_102] : memref<6912xf32, #tpu.memory_space<hbm>> -> memref<1904xf32, #tpu.memory_space<hbm>>
    tpu.enqueue_dma source(%dma_start3A_103 : memref<1904xf32, #tpu.memory_space<hbm>>) target(%dma_start3A_101 : memref<1904xf32, #tpu.memory_space<vmem>>) target_semaphore(%arg6 : memref<!tpu.dma_semaphore, #tpu.memory_space<semaphore_mem>>)
    %dma_start3A_104 = arith.constant 18288 : i32
    %dma_start3A_105 = tpu.memref_slice %arg4[%dma_start3A_104] : memref<32768xf32, #tpu.memory_space<vmem>> -> memref<288xf32, #tpu.memory_space<vmem>>
    %dma_start3A_106 = arith.constant 1536 : i32
    %dma_start3A_107 = tpu.memref_slice %arg2[%dma_start3A_106] : memref<6912xf32, #tpu.memory_space<hbm>> -> memref<288xf32, #tpu.memory_space<hbm>>
    %dma_start3A_108 = arith.constant 18288 : i32
    %dma_start3A_109 = tpu.memref_slice %arg4[%dma_start3A_108] : memref<32768xf32, #tpu.memory_space<vmem>> -> memref<288xf32, #tpu.memory_space<vmem>>
    %dma_start3A_110 = arith.constant 1536 : i32
    %dma_start3A_111 = tpu.memref_slice %arg2[%dma_start3A_110] : memref<6912xf32, #tpu.memory_space<hbm>> -> memref<288xf32, #tpu.memory_space<hbm>>
    tpu.enqueue_dma source(%dma_start3A_111 : memref<288xf32, #tpu.memory_space<hbm>>) target(%dma_start3A_109 : memref<288xf32, #tpu.memory_space<vmem>>) target_semaphore(%arg6 : memref<!tpu.dma_semaphore, #tpu.memory_space<semaphore_mem>>)
    %dma_start3A_112 = arith.constant 18576 : i32
    %dma_start3A_113 = tpu.memref_slice %arg4[%dma_start3A_112] : memref<32768xf32, #tpu.memory_space<vmem>> -> memref<1904xf32, #tpu.memory_space<vmem>>
    %dma_start3A_114 = arith.constant 4992 : i32
    %dma_start3A_115 = tpu.memref_slice %arg2[%dma_start3A_114] : memref<6912xf32, #tpu.memory_space<hbm>> -> memref<1904xf32, #tpu.memory_space<hbm>>
    %dma_start3A_116 = arith.constant 18576 : i32
    %dma_start3A_117 = tpu.memref_slice %arg4[%dma_start3A_116] : memref<32768xf32, #tpu.memory_space<vmem>> -> memref<1904xf32, #tpu.memory_space<vmem>>
    %dma_start3A_118 = arith.constant 4992 : i32
    %dma_start3A_119 = tpu.memref_slice %arg2[%dma_start3A_118] : memref<6912xf32, #tpu.memory_space<hbm>> -> memref<1904xf32, #tpu.memory_space<hbm>>
    tpu.enqueue_dma source(%dma_start3A_119 : memref<1904xf32, #tpu.memory_space<hbm>>) target(%dma_start3A_117 : memref<1904xf32, #tpu.memory_space<vmem>>) target_semaphore(%arg6 : memref<!tpu.dma_semaphore, #tpu.memory_space<semaphore_mem>>)
    %dma_start3A_120 = arith.constant 20480 : i32
    %dma_start3A_121 = tpu.memref_slice %arg4[%dma_start3A_120] : memref<32768xf32, #tpu.memory_space<vmem>> -> memref<1904xf32, #tpu.memory_space<vmem>>
    %dma_start3A_122 = arith.constant 3072 : i32
    %dma_start3A_123 = tpu.memref_slice %arg2[%dma_start3A_122] : memref<6912xf32, #tpu.memory_space<hbm>> -> memref<1904xf32, #tpu.memory_space<hbm>>
    %dma_start3A_124 = arith.constant 20480 : i32
    %dma_start3A_125 = tpu.memref_slice %arg4[%dma_start3A_124] : memref<32768xf32, #tpu.memory_space<vmem>> -> memref<1904xf32, #tpu.memory_space<vmem>>
    %dma_start3A_126 = arith.constant 3072 : i32
    %dma_start3A_127 = tpu.memref_slice %arg2[%dma_start3A_126] : memref<6912xf32, #tpu.memory_space<hbm>> -> memref<1904xf32, #tpu.memory_space<hbm>>
    tpu.enqueue_dma source(%dma_start3A_127 : memref<1904xf32, #tpu.memory_space<hbm>>) target(%dma_start3A_125 : memref<1904xf32, #tpu.memory_space<vmem>>) target_semaphore(%arg6 : memref<!tpu.dma_semaphore, #tpu.memory_space<semaphore_mem>>)
    %dma_start3A_128 = arith.constant 22384 : i32
    %dma_start3A_129 = tpu.memref_slice %arg4[%dma_start3A_128] : memref<32768xf32, #tpu.memory_space<vmem>> -> memref<288xf32, #tpu.memory_space<vmem>>
    %dma_start3A_130 = arith.constant 1920 : i32
    %dma_start3A_131 = tpu.memref_slice %arg2[%dma_start3A_130] : memref<6912xf32, #tpu.memory_space<hbm>> -> memref<288xf32, #tpu.memory_space<hbm>>
    %dma_start3A_132 = arith.constant 22384 : i32
    %dma_start3A_133 = tpu.memref_slice %arg4[%dma_start3A_132] : memref<32768xf32, #tpu.memory_space<vmem>> -> memref<288xf32, #tpu.memory_space<vmem>>
    %dma_start3A_134 = arith.constant 1920 : i32
    %dma_start3A_135 = tpu.memref_slice %arg2[%dma_start3A_134] : memref<6912xf32, #tpu.memory_space<hbm>> -> memref<288xf32, #tpu.memory_space<hbm>>
    tpu.enqueue_dma source(%dma_start3A_135 : memref<288xf32, #tpu.memory_space<hbm>>) target(%dma_start3A_133 : memref<288xf32, #tpu.memory_space<vmem>>) target_semaphore(%arg6 : memref<!tpu.dma_semaphore, #tpu.memory_space<semaphore_mem>>)
    %dma_start3A_136 = arith.constant 22672 : i32
    %dma_start3A_137 = tpu.memref_slice %arg4[%dma_start3A_136] : memref<32768xf32, #tpu.memory_space<vmem>> -> memref<1904xf32, #tpu.memory_space<vmem>>
    %dma_start3A_138 = arith.constant 4992 : i32
    %dma_start3A_139 = tpu.memref_slice %arg2[%dma_start3A_138] : memref<6912xf32, #tpu.memory_space<hbm>> -> memref<1904xf32, #tpu.memory_space<hbm>>
    %dma_start3A_140 = arith.constant 22672 : i32
    %dma_start3A_141 = tpu.memref_slice %arg4[%dma_start3A_140] : memref<32768xf32, #tpu.memory_space<vmem>> -> memref<1904xf32, #tpu.memory_space<vmem>>
    %dma_start3A_142 = arith.constant 4992 : i32
    %dma_start3A_143 = tpu.memref_slice %arg2[%dma_start3A_142] : memref<6912xf32, #tpu.memory_space<hbm>> -> memref<1904xf32, #tpu.memory_space<hbm>>
    tpu.enqueue_dma source(%dma_start3A_143 : memref<1904xf32, #tpu.memory_space<hbm>>) target(%dma_start3A_141 : memref<1904xf32, #tpu.memory_space<vmem>>) target_semaphore(%arg6 : memref<!tpu.dma_semaphore, #tpu.memory_space<semaphore_mem>>)
    %dma_start3A_144 = arith.constant 24576 : i32
    %dma_start3A_145 = tpu.memref_slice %arg4[%dma_start3A_144] : memref<32768xf32, #tpu.memory_space<vmem>> -> memref<1904xf32, #tpu.memory_space<vmem>>
    %dma_start3A_146 = arith.constant 3072 : i32
    %dma_start3A_147 = tpu.memref_slice %arg2[%dma_start3A_146] : memref<6912xf32, #tpu.memory_space<hbm>> -> memref<1904xf32, #tpu.memory_space<hbm>>
    %dma_start3A_148 = arith.constant 24576 : i32
    %dma_start3A_149 = tpu.memref_slice %arg4[%dma_start3A_148] : memref<32768xf32, #tpu.memory_space<vmem>> -> memref<1904xf32, #tpu.memory_space<vmem>>
    %dma_start3A_150 = arith.constant 3072 : i32
    %dma_start3A_151 = tpu.memref_slice %arg2[%dma_start3A_150] : memref<6912xf32, #tpu.memory_space<hbm>> -> memref<1904xf32, #tpu.memory_space<hbm>>
    tpu.enqueue_dma source(%dma_start3A_151 : memref<1904xf32, #tpu.memory_space<hbm>>) target(%dma_start3A_149 : memref<1904xf32, #tpu.memory_space<vmem>>) target_semaphore(%arg6 : memref<!tpu.dma_semaphore, #tpu.memory_space<semaphore_mem>>)
    %dma_start3A_152 = arith.constant 26480 : i32
    %dma_start3A_153 = tpu.memref_slice %arg4[%dma_start3A_152] : memref<32768xf32, #tpu.memory_space<vmem>> -> memref<288xf32, #tpu.memory_space<vmem>>
    %dma_start3A_154 = arith.constant 2304 : i32
    %dma_start3A_155 = tpu.memref_slice %arg2[%dma_start3A_154] : memref<6912xf32, #tpu.memory_space<hbm>> -> memref<288xf32, #tpu.memory_space<hbm>>
    %dma_start3A_156 = arith.constant 26480 : i32
    %dma_start3A_157 = tpu.memref_slice %arg4[%dma_start3A_156] : memref<32768xf32, #tpu.memory_space<vmem>> -> memref<288xf32, #tpu.memory_space<vmem>>
    %dma_start3A_158 = arith.constant 2304 : i32
    %dma_start3A_159 = tpu.memref_slice %arg2[%dma_start3A_158] : memref<6912xf32, #tpu.memory_space<hbm>> -> memref<288xf32, #tpu.memory_space<hbm>>
    tpu.enqueue_dma source(%dma_start3A_159 : memref<288xf32, #tpu.memory_space<hbm>>) target(%dma_start3A_157 : memref<288xf32, #tpu.memory_space<vmem>>) target_semaphore(%arg6 : memref<!tpu.dma_semaphore, #tpu.memory_space<semaphore_mem>>)
    %dma_start3A_160 = arith.constant 26768 : i32
    %dma_start3A_161 = tpu.memref_slice %arg4[%dma_start3A_160] : memref<32768xf32, #tpu.memory_space<vmem>> -> memref<1904xf32, #tpu.memory_space<vmem>>
    %dma_start3A_162 = arith.constant 4992 : i32
    %dma_start3A_163 = tpu.memref_slice %arg2[%dma_start3A_162] : memref<6912xf32, #tpu.memory_space<hbm>> -> memref<1904xf32, #tpu.memory_space<hbm>>
    %dma_start3A_164 = arith.constant 26768 : i32
    %dma_start3A_165 = tpu.memref_slice %arg4[%dma_start3A_164] : memref<32768xf32, #tpu.memory_space<vmem>> -> memref<1904xf32, #tpu.memory_space<vmem>>
    %dma_start3A_166 = arith.constant 4992 : i32
    %dma_start3A_167 = tpu.memref_slice %arg2[%dma_start3A_166] : memref<6912xf32, #tpu.memory_space<hbm>> -> memref<1904xf32, #tpu.memory_space<hbm>>
    tpu.enqueue_dma source(%dma_start3A_167 : memref<1904xf32, #tpu.memory_space<hbm>>) target(%dma_start3A_165 : memref<1904xf32, #tpu.memory_space<vmem>>) target_semaphore(%arg6 : memref<!tpu.dma_semaphore, #tpu.memory_space<semaphore_mem>>)
    %dma_start3A_168 = arith.constant 28672 : i32
    %dma_start3A_169 = tpu.memref_slice %arg4[%dma_start3A_168] : memref<32768xf32, #tpu.memory_space<vmem>> -> memref<1904xf32, #tpu.memory_space<vmem>>
    %dma_start3A_170 = arith.constant 3072 : i32
    %dma_start3A_171 = tpu.memref_slice %arg2[%dma_start3A_170] : memref<6912xf32, #tpu.memory_space<hbm>> -> memref<1904xf32, #tpu.memory_space<hbm>>
    %dma_start3A_172 = arith.constant 28672 : i32
    %dma_start3A_173 = tpu.memref_slice %arg4[%dma_start3A_172] : memref<32768xf32, #tpu.memory_space<vmem>> -> memref<1904xf32, #tpu.memory_space<vmem>>
    %dma_start3A_174 = arith.constant 3072 : i32
    %dma_start3A_175 = tpu.memref_slice %arg2[%dma_start3A_174] : memref<6912xf32, #tpu.memory_space<hbm>> -> memref<1904xf32, #tpu.memory_space<hbm>>
    tpu.enqueue_dma source(%dma_start3A_175 : memref<1904xf32, #tpu.memory_space<hbm>>) target(%dma_start3A_173 : memref<1904xf32, #tpu.memory_space<vmem>>) target_semaphore(%arg6 : memref<!tpu.dma_semaphore, #tpu.memory_space<semaphore_mem>>)
    %dma_start3A_176 = arith.constant 30576 : i32
    %dma_start3A_177 = tpu.memref_slice %arg4[%dma_start3A_176] : memref<32768xf32, #tpu.memory_space<vmem>> -> memref<288xf32, #tpu.memory_space<vmem>>
    %dma_start3A_178 = arith.constant 2688 : i32
    %dma_start3A_179 = tpu.memref_slice %arg2[%dma_start3A_178] : memref<6912xf32, #tpu.memory_space<hbm>> -> memref<288xf32, #tpu.memory_space<hbm>>
    %dma_start3A_180 = arith.constant 30576 : i32
    %dma_start3A_181 = tpu.memref_slice %arg4[%dma_start3A_180] : memref<32768xf32, #tpu.memory_space<vmem>> -> memref<288xf32, #tpu.memory_space<vmem>>
    %dma_start3A_182 = arith.constant 2688 : i32
    %dma_start3A_183 = tpu.memref_slice %arg2[%dma_start3A_182] : memref<6912xf32, #tpu.memory_space<hbm>> -> memref<288xf32, #tpu.memory_space<hbm>>
    tpu.enqueue_dma source(%dma_start3A_183 : memref<288xf32, #tpu.memory_space<hbm>>) target(%dma_start3A_181 : memref<288xf32, #tpu.memory_space<vmem>>) target_semaphore(%arg6 : memref<!tpu.dma_semaphore, #tpu.memory_space<semaphore_mem>>)
    %dma_start3A_184 = arith.constant 30864 : i32
    %dma_start3A_185 = tpu.memref_slice %arg4[%dma_start3A_184] : memref<32768xf32, #tpu.memory_space<vmem>> -> memref<1904xf32, #tpu.memory_space<vmem>>
    %dma_start3A_186 = arith.constant 4992 : i32
    %dma_start3A_187 = tpu.memref_slice %arg2[%dma_start3A_186] : memref<6912xf32, #tpu.memory_space<hbm>> -> memref<1904xf32, #tpu.memory_space<hbm>>
    %dma_start3A_188 = arith.constant 30864 : i32
    %dma_start3A_189 = tpu.memref_slice %arg4[%dma_start3A_188] : memref<32768xf32, #tpu.memory_space<vmem>> -> memref<1904xf32, #tpu.memory_space<vmem>>
    %dma_start3A_190 = arith.constant 4992 : i32
    %dma_start3A_191 = tpu.memref_slice %arg2[%dma_start3A_190] : memref<6912xf32, #tpu.memory_space<hbm>> -> memref<1904xf32, #tpu.memory_space<hbm>>
    tpu.enqueue_dma source(%dma_start3A_191 : memref<1904xf32, #tpu.memory_space<hbm>>) target(%dma_start3A_189 : memref<1904xf32, #tpu.memory_space<vmem>>) target_semaphore(%arg6 : memref<!tpu.dma_semaphore, #tpu.memory_space<semaphore_mem>>)
    %dma_wait3A = arith.constant 0 : i32
    %dma_wait3A_192 = tpu.memref_slice %arg4[%dma_wait3A] : memref<32768xf32, #tpu.memory_space<vmem>> -> memref<1904xf32, #tpu.memory_space<vmem>>
    %dma_wait3A_193 = arith.constant 3072 : i32
    %dma_wait3A_194 = tpu.memref_slice %arg2[%dma_wait3A_193] : memref<6912xf32, #tpu.memory_space<hbm>> -> memref<1904xf32, #tpu.memory_space<hbm>>
    %dma_wait3A_195 = arith.constant 0 : i32
    %dma_wait3A_196 = tpu.memref_slice %arg4[%dma_wait3A_195] : memref<32768xf32, #tpu.memory_space<vmem>> -> memref<1904xf32, #tpu.memory_space<vmem>>
    %dma_wait3A_197 = arith.constant 3072 : i32
    %dma_wait3A_198 = tpu.memref_slice %arg2[%dma_wait3A_197] : memref<6912xf32, #tpu.memory_space<hbm>> -> memref<1904xf32, #tpu.memory_space<hbm>>
    tpu.wait_dma2 semaphore(%arg6 : memref<!tpu.dma_semaphore, #tpu.memory_space<semaphore_mem>>) src(%dma_wait3A_198 : memref<1904xf32, #tpu.memory_space<hbm>>) dst(%dma_wait3A_196 : memref<1904xf32, #tpu.memory_space<vmem>>)
    %dma_wait3A_199 = arith.constant 1904 : i32
    %dma_wait3A_200 = tpu.memref_slice %arg4[%dma_wait3A_199] : memref<32768xf32, #tpu.memory_space<vmem>> -> memref<288xf32, #tpu.memory_space<vmem>>
    %dma_wait3A_201 = arith.constant 0 : i32
    %dma_wait3A_202 = tpu.memref_slice %arg2[%dma_wait3A_201] : memref<6912xf32, #tpu.memory_space<hbm>> -> memref<288xf32, #tpu.memory_space<hbm>>
    %dma_wait3A_203 = arith.constant 1904 : i32
    %dma_wait3A_204 = tpu.memref_slice %arg4[%dma_wait3A_203] : memref<32768xf32, #tpu.memory_space<vmem>> -> memref<288xf32, #tpu.memory_space<vmem>>
    %dma_wait3A_205 = arith.constant 0 : i32
    %dma_wait3A_206 = tpu.memref_slice %arg2[%dma_wait3A_205] : memref<6912xf32, #tpu.memory_space<hbm>> -> memref<288xf32, #tpu.memory_space<hbm>>
    tpu.wait_dma2 semaphore(%arg6 : memref<!tpu.dma_semaphore, #tpu.memory_space<semaphore_mem>>) src(%dma_wait3A_206 : memref<288xf32, #tpu.memory_space<hbm>>) dst(%dma_wait3A_204 : memref<288xf32, #tpu.memory_space<vmem>>)
    %dma_wait3A_207 = arith.constant 2192 : i32
    %dma_wait3A_208 = tpu.memref_slice %arg4[%dma_wait3A_207] : memref<32768xf32, #tpu.memory_space<vmem>> -> memref<1904xf32, #tpu.memory_space<vmem>>
    %dma_wait3A_209 = arith.constant 4992 : i32
    %dma_wait3A_210 = tpu.memref_slice %arg2[%dma_wait3A_209] : memref<6912xf32, #tpu.memory_space<hbm>> -> memref<1904xf32, #tpu.memory_space<hbm>>
    %dma_wait3A_211 = arith.constant 2192 : i32
    %dma_wait3A_212 = tpu.memref_slice %arg4[%dma_wait3A_211] : memref<32768xf32, #tpu.memory_space<vmem>> -> memref<1904xf32, #tpu.memory_space<vmem>>
    %dma_wait3A_213 = arith.constant 4992 : i32
    %dma_wait3A_214 = tpu.memref_slice %arg2[%dma_wait3A_213] : memref<6912xf32, #tpu.memory_space<hbm>> -> memref<1904xf32, #tpu.memory_space<hbm>>
    tpu.wait_dma2 semaphore(%arg6 : memref<!tpu.dma_semaphore, #tpu.memory_space<semaphore_mem>>) src(%dma_wait3A_214 : memref<1904xf32, #tpu.memory_space<hbm>>) dst(%dma_wait3A_212 : memref<1904xf32, #tpu.memory_space<vmem>>)
    %dma_wait3A_215 = arith.constant 4096 : i32
    %dma_wait3A_216 = tpu.memref_slice %arg4[%dma_wait3A_215] : memref<32768xf32, #tpu.memory_space<vmem>> -> memref<1904xf32, #tpu.memory_space<vmem>>
    %dma_wait3A_217 = arith.constant 3072 : i32
    %dma_wait3A_218 = tpu.memref_slice %arg2[%dma_wait3A_217] : memref<6912xf32, #tpu.memory_space<hbm>> -> memref<1904xf32, #tpu.memory_space<hbm>>
    %dma_wait3A_219 = arith.constant 4096 : i32
    %dma_wait3A_220 = tpu.memref_slice %arg4[%dma_wait3A_219] : memref<32768xf32, #tpu.memory_space<vmem>> -> memref<1904xf32, #tpu.memory_space<vmem>>
    %dma_wait3A_221 = arith.constant 3072 : i32
    %dma_wait3A_222 = tpu.memref_slice %arg2[%dma_wait3A_221] : memref<6912xf32, #tpu.memory_space<hbm>> -> memref<1904xf32, #tpu.memory_space<hbm>>
    tpu.wait_dma2 semaphore(%arg6 : memref<!tpu.dma_semaphore, #tpu.memory_space<semaphore_mem>>) src(%dma_wait3A_222 : memref<1904xf32, #tpu.memory_space<hbm>>) dst(%dma_wait3A_220 : memref<1904xf32, #tpu.memory_space<vmem>>)
    %dma_wait3A_223 = arith.constant 6000 : i32
    %dma_wait3A_224 = tpu.memref_slice %arg4[%dma_wait3A_223] : memref<32768xf32, #tpu.memory_space<vmem>> -> memref<288xf32, #tpu.memory_space<vmem>>
    %dma_wait3A_225 = arith.constant 384 : i32
    %dma_wait3A_226 = tpu.memref_slice %arg2[%dma_wait3A_225] : memref<6912xf32, #tpu.memory_space<hbm>> -> memref<288xf32, #tpu.memory_space<hbm>>
    %dma_wait3A_227 = arith.constant 6000 : i32
    %dma_wait3A_228 = tpu.memref_slice %arg4[%dma_wait3A_227] : memref<32768xf32, #tpu.memory_space<vmem>> -> memref<288xf32, #tpu.memory_space<vmem>>
    %dma_wait3A_229 = arith.constant 384 : i32
    %dma_wait3A_230 = tpu.memref_slice %arg2[%dma_wait3A_229] : memref<6912xf32, #tpu.memory_space<hbm>> -> memref<288xf32, #tpu.memory_space<hbm>>
    tpu.wait_dma2 semaphore(%arg6 : memref<!tpu.dma_semaphore, #tpu.memory_space<semaphore_mem>>) src(%dma_wait3A_230 : memref<288xf32, #tpu.memory_space<hbm>>) dst(%dma_wait3A_228 : memref<288xf32, #tpu.memory_space<vmem>>)
    %dma_wait3A_231 = arith.constant 6288 : i32
    %dma_wait3A_232 = tpu.memref_slice %arg4[%dma_wait3A_231] : memref<32768xf32, #tpu.memory_space<vmem>> -> memref<1904xf32, #tpu.memory_space<vmem>>
    %dma_wait3A_233 = arith.constant 4992 : i32
    %dma_wait3A_234 = tpu.memref_slice %arg2[%dma_wait3A_233] : memref<6912xf32, #tpu.memory_space<hbm>> -> memref<1904xf32, #tpu.memory_space<hbm>>
    %dma_wait3A_235 = arith.constant 6288 : i32
    %dma_wait3A_236 = tpu.memref_slice %arg4[%dma_wait3A_235] : memref<32768xf32, #tpu.memory_space<vmem>> -> memref<1904xf32, #tpu.memory_space<vmem>>
    %dma_wait3A_237 = arith.constant 4992 : i32
    %dma_wait3A_238 = tpu.memref_slice %arg2[%dma_wait3A_237] : memref<6912xf32, #tpu.memory_space<hbm>> -> memref<1904xf32, #tpu.memory_space<hbm>>
    tpu.wait_dma2 semaphore(%arg6 : memref<!tpu.dma_semaphore, #tpu.memory_space<semaphore_mem>>) src(%dma_wait3A_238 : memref<1904xf32, #tpu.memory_space<hbm>>) dst(%dma_wait3A_236 : memref<1904xf32, #tpu.memory_space<vmem>>)
    %dma_wait3A_239 = arith.constant 8192 : i32
    %dma_wait3A_240 = tpu.memref_slice %arg4[%dma_wait3A_239] : memref<32768xf32, #tpu.memory_space<vmem>> -> memref<1904xf32, #tpu.memory_space<vmem>>
    %dma_wait3A_241 = arith.constant 3072 : i32
    %dma_wait3A_242 = tpu.memref_slice %arg2[%dma_wait3A_241] : memref<6912xf32, #tpu.memory_space<hbm>> -> memref<1904xf32, #tpu.memory_space<hbm>>
    %dma_wait3A_243 = arith.constant 8192 : i32
    %dma_wait3A_244 = tpu.memref_slice %arg4[%dma_wait3A_243] : memref<32768xf32, #tpu.memory_space<vmem>> -> memref<1904xf32, #tpu.memory_space<vmem>>
    %dma_wait3A_245 = arith.constant 3072 : i32
    %dma_wait3A_246 = tpu.memref_slice %arg2[%dma_wait3A_245] : memref<6912xf32, #tpu.memory_space<hbm>> -> memref<1904xf32, #tpu.memory_space<hbm>>
    tpu.wait_dma2 semaphore(%arg6 : memref<!tpu.dma_semaphore, #tpu.memory_space<semaphore_mem>>) src(%dma_wait3A_246 : memref<1904xf32, #tpu.memory_space<hbm>>) dst(%dma_wait3A_244 : memref<1904xf32, #tpu.memory_space<vmem>>)
    %dma_wait3A_247 = arith.constant 10096 : i32
    %dma_wait3A_248 = tpu.memref_slice %arg4[%dma_wait3A_247] : memref<32768xf32, #tpu.memory_space<vmem>> -> memref<288xf32, #tpu.memory_space<vmem>>
    %dma_wait3A_249 = arith.constant 768 : i32
    %dma_wait3A_250 = tpu.memref_slice %arg2[%dma_wait3A_249] : memref<6912xf32, #tpu.memory_space<hbm>> -> memref<288xf32, #tpu.memory_space<hbm>>
    %dma_wait3A_251 = arith.constant 10096 : i32
    %dma_wait3A_252 = tpu.memref_slice %arg4[%dma_wait3A_251] : memref<32768xf32, #tpu.memory_space<vmem>> -> memref<288xf32, #tpu.memory_space<vmem>>
    %dma_wait3A_253 = arith.constant 768 : i32
    %dma_wait3A_254 = tpu.memref_slice %arg2[%dma_wait3A_253] : memref<6912xf32, #tpu.memory_space<hbm>> -> memref<288xf32, #tpu.memory_space<hbm>>
    tpu.wait_dma2 semaphore(%arg6 : memref<!tpu.dma_semaphore, #tpu.memory_space<semaphore_mem>>) src(%dma_wait3A_254 : memref<288xf32, #tpu.memory_space<hbm>>) dst(%dma_wait3A_252 : memref<288xf32, #tpu.memory_space<vmem>>)
    %dma_wait3A_255 = arith.constant 10384 : i32
    %dma_wait3A_256 = tpu.memref_slice %arg4[%dma_wait3A_255] : memref<32768xf32, #tpu.memory_space<vmem>> -> memref<1904xf32, #tpu.memory_space<vmem>>
    %dma_wait3A_257 = arith.constant 4992 : i32
    %dma_wait3A_258 = tpu.memref_slice %arg2[%dma_wait3A_257] : memref<6912xf32, #tpu.memory_space<hbm>> -> memref<1904xf32, #tpu.memory_space<hbm>>
    %dma_wait3A_259 = arith.constant 10384 : i32
    %dma_wait3A_260 = tpu.memref_slice %arg4[%dma_wait3A_259] : memref<32768xf32, #tpu.memory_space<vmem>> -> memref<1904xf32, #tpu.memory_space<vmem>>
    %dma_wait3A_261 = arith.constant 4992 : i32
    %dma_wait3A_262 = tpu.memref_slice %arg2[%dma_wait3A_261] : memref<6912xf32, #tpu.memory_space<hbm>> -> memref<1904xf32, #tpu.memory_space<hbm>>
    tpu.wait_dma2 semaphore(%arg6 : memref<!tpu.dma_semaphore, #tpu.memory_space<semaphore_mem>>) src(%dma_wait3A_262 : memref<1904xf32, #tpu.memory_space<hbm>>) dst(%dma_wait3A_260 : memref<1904xf32, #tpu.memory_space<vmem>>)
    %dma_wait3A_263 = arith.constant 12288 : i32
    %dma_wait3A_264 = tpu.memref_slice %arg4[%dma_wait3A_263] : memref<32768xf32, #tpu.memory_space<vmem>> -> memref<1904xf32, #tpu.memory_space<vmem>>
    %dma_wait3A_265 = arith.constant 3072 : i32
    %dma_wait3A_266 = tpu.memref_slice %arg2[%dma_wait3A_265] : memref<6912xf32, #tpu.memory_space<hbm>> -> memref<1904xf32, #tpu.memory_space<hbm>>
    %dma_wait3A_267 = arith.constant 12288 : i32
    %dma_wait3A_268 = tpu.memref_slice %arg4[%dma_wait3A_267] : memref<32768xf32, #tpu.memory_space<vmem>> -> memref<1904xf32, #tpu.memory_space<vmem>>
    %dma_wait3A_269 = arith.constant 3072 : i32
    %dma_wait3A_270 = tpu.memref_slice %arg2[%dma_wait3A_269] : memref<6912xf32, #tpu.memory_space<hbm>> -> memref<1904xf32, #tpu.memory_space<hbm>>
    tpu.wait_dma2 semaphore(%arg6 : memref<!tpu.dma_semaphore, #tpu.memory_space<semaphore_mem>>) src(%dma_wait3A_270 : memref<1904xf32, #tpu.memory_space<hbm>>) dst(%dma_wait3A_268 : memref<1904xf32, #tpu.memory_space<vmem>>)
    %dma_wait3A_271 = arith.constant 14192 : i32
    %dma_wait3A_272 = tpu.memref_slice %arg4[%dma_wait3A_271] : memref<32768xf32, #tpu.memory_space<vmem>> -> memref<288xf32, #tpu.memory_space<vmem>>
    %dma_wait3A_273 = arith.constant 1152 : i32
    %dma_wait3A_274 = tpu.memref_slice %arg2[%dma_wait3A_273] : memref<6912xf32, #tpu.memory_space<hbm>> -> memref<288xf32, #tpu.memory_space<hbm>>
    %dma_wait3A_275 = arith.constant 14192 : i32
    %dma_wait3A_276 = tpu.memref_slice %arg4[%dma_wait3A_275] : memref<32768xf32, #tpu.memory_space<vmem>> -> memref<288xf32, #tpu.memory_space<vmem>>
    %dma_wait3A_277 = arith.constant 1152 : i32
    %dma_wait3A_278 = tpu.memref_slice %arg2[%dma_wait3A_277] : memref<6912xf32, #tpu.memory_space<hbm>> -> memref<288xf32, #tpu.memory_space<hbm>>
    tpu.wait_dma2 semaphore(%arg6 : memref<!tpu.dma_semaphore, #tpu.memory_space<semaphore_mem>>) src(%dma_wait3A_278 : memref<288xf32, #tpu.memory_space<hbm>>) dst(%dma_wait3A_276 : memref<288xf32, #tpu.memory_space<vmem>>)
    %dma_wait3A_279 = arith.constant 14480 : i32
    %dma_wait3A_280 = tpu.memref_slice %arg4[%dma_wait3A_279] : memref<32768xf32, #tpu.memory_space<vmem>> -> memref<1904xf32, #tpu.memory_space<vmem>>
    %dma_wait3A_281 = arith.constant 4992 : i32
    %dma_wait3A_282 = tpu.memref_slice %arg2[%dma_wait3A_281] : memref<6912xf32, #tpu.memory_space<hbm>> -> memref<1904xf32, #tpu.memory_space<hbm>>
    %dma_wait3A_283 = arith.constant 14480 : i32
    %dma_wait3A_284 = tpu.memref_slice %arg4[%dma_wait3A_283] : memref<32768xf32, #tpu.memory_space<vmem>> -> memref<1904xf32, #tpu.memory_space<vmem>>
    %dma_wait3A_285 = arith.constant 4992 : i32
    %dma_wait3A_286 = tpu.memref_slice %arg2[%dma_wait3A_285] : memref<6912xf32, #tpu.memory_space<hbm>> -> memref<1904xf32, #tpu.memory_space<hbm>>
    tpu.wait_dma2 semaphore(%arg6 : memref<!tpu.dma_semaphore, #tpu.memory_space<semaphore_mem>>) src(%dma_wait3A_286 : memref<1904xf32, #tpu.memory_space<hbm>>) dst(%dma_wait3A_284 : memref<1904xf32, #tpu.memory_space<vmem>>)
    %dma_wait3A_287 = arith.constant 16384 : i32
    %dma_wait3A_288 = tpu.memref_slice %arg4[%dma_wait3A_287] : memref<32768xf32, #tpu.memory_space<vmem>> -> memref<1904xf32, #tpu.memory_space<vmem>>
    %dma_wait3A_289 = arith.constant 3072 : i32
    %dma_wait3A_290 = tpu.memref_slice %arg2[%dma_wait3A_289] : memref<6912xf32, #tpu.memory_space<hbm>> -> memref<1904xf32, #tpu.memory_space<hbm>>
    %dma_wait3A_291 = arith.constant 16384 : i32
    %dma_wait3A_292 = tpu.memref_slice %arg4[%dma_wait3A_291] : memref<32768xf32, #tpu.memory_space<vmem>> -> memref<1904xf32, #tpu.memory_space<vmem>>
    %dma_wait3A_293 = arith.constant 3072 : i32
    %dma_wait3A_294 = tpu.memref_slice %arg2[%dma_wait3A_293] : memref<6912xf32, #tpu.memory_space<hbm>> -> memref<1904xf32, #tpu.memory_space<hbm>>
    tpu.wait_dma2 semaphore(%arg6 : memref<!tpu.dma_semaphore, #tpu.memory_space<semaphore_mem>>) src(%dma_wait3A_294 : memref<1904xf32, #tpu.memory_space<hbm>>) dst(%dma_wait3A_292 : memref<1904xf32, #tpu.memory_space<vmem>>)
    %dma_wait3A_295 = arith.constant 18288 : i32
    %dma_wait3A_296 = tpu.memref_slice %arg4[%dma_wait3A_295] : memref<32768xf32, #tpu.memory_space<vmem>> -> memref<288xf32, #tpu.memory_space<vmem>>
    %dma_wait3A_297 = arith.constant 1536 : i32
    %dma_wait3A_298 = tpu.memref_slice %arg2[%dma_wait3A_297] : memref<6912xf32, #tpu.memory_space<hbm>> -> memref<288xf32, #tpu.memory_space<hbm>>
    %dma_wait3A_299 = arith.constant 18288 : i32
    %dma_wait3A_300 = tpu.memref_slice %arg4[%dma_wait3A_299] : memref<32768xf32, #tpu.memory_space<vmem>> -> memref<288xf32, #tpu.memory_space<vmem>>
    %dma_wait3A_301 = arith.constant 1536 : i32
    %dma_wait3A_302 = tpu.memref_slice %arg2[%dma_wait3A_301] : memref<6912xf32, #tpu.memory_space<hbm>> -> memref<288xf32, #tpu.memory_space<hbm>>
    tpu.wait_dma2 semaphore(%arg6 : memref<!tpu.dma_semaphore, #tpu.memory_space<semaphore_mem>>) src(%dma_wait3A_302 : memref<288xf32, #tpu.memory_space<hbm>>) dst(%dma_wait3A_300 : memref<288xf32, #tpu.memory_space<vmem>>)
    %dma_wait3A_303 = arith.constant 18576 : i32
    %dma_wait3A_304 = tpu.memref_slice %arg4[%dma_wait3A_303] : memref<32768xf32, #tpu.memory_space<vmem>> -> memref<1904xf32, #tpu.memory_space<vmem>>
    %dma_wait3A_305 = arith.constant 4992 : i32
    %dma_wait3A_306 = tpu.memref_slice %arg2[%dma_wait3A_305] : memref<6912xf32, #tpu.memory_space<hbm>> -> memref<1904xf32, #tpu.memory_space<hbm>>
    %dma_wait3A_307 = arith.constant 18576 : i32
    %dma_wait3A_308 = tpu.memref_slice %arg4[%dma_wait3A_307] : memref<32768xf32, #tpu.memory_space<vmem>> -> memref<1904xf32, #tpu.memory_space<vmem>>
    %dma_wait3A_309 = arith.constant 4992 : i32
    %dma_wait3A_310 = tpu.memref_slice %arg2[%dma_wait3A_309] : memref<6912xf32, #tpu.memory_space<hbm>> -> memref<1904xf32, #tpu.memory_space<hbm>>
    tpu.wait_dma2 semaphore(%arg6 : memref<!tpu.dma_semaphore, #tpu.memory_space<semaphore_mem>>) src(%dma_wait3A_310 : memref<1904xf32, #tpu.memory_space<hbm>>) dst(%dma_wait3A_308 : memref<1904xf32, #tpu.memory_space<vmem>>)
    %dma_wait3A_311 = arith.constant 20480 : i32
    %dma_wait3A_312 = tpu.memref_slice %arg4[%dma_wait3A_311] : memref<32768xf32, #tpu.memory_space<vmem>> -> memref<1904xf32, #tpu.memory_space<vmem>>
    %dma_wait3A_313 = arith.constant 3072 : i32
    %dma_wait3A_314 = tpu.memref_slice %arg2[%dma_wait3A_313] : memref<6912xf32, #tpu.memory_space<hbm>> -> memref<1904xf32, #tpu.memory_space<hbm>>
    %dma_wait3A_315 = arith.constant 20480 : i32
    %dma_wait3A_316 = tpu.memref_slice %arg4[%dma_wait3A_315] : memref<32768xf32, #tpu.memory_space<vmem>> -> memref<1904xf32, #tpu.memory_space<vmem>>
    %dma_wait3A_317 = arith.constant 3072 : i32
    %dma_wait3A_318 = tpu.memref_slice %arg2[%dma_wait3A_317] : memref<6912xf32, #tpu.memory_space<hbm>> -> memref<1904xf32, #tpu.memory_space<hbm>>
    tpu.wait_dma2 semaphore(%arg6 : memref<!tpu.dma_semaphore, #tpu.memory_space<semaphore_mem>>) src(%dma_wait3A_318 : memref<1904xf32, #tpu.memory_space<hbm>>) dst(%dma_wait3A_316 : memref<1904xf32, #tpu.memory_space<vmem>>)
    %dma_wait3A_319 = arith.constant 22384 : i32
    %dma_wait3A_320 = tpu.memref_slice %arg4[%dma_wait3A_319] : memref<32768xf32, #tpu.memory_space<vmem>> -> memref<288xf32, #tpu.memory_space<vmem>>
    %dma_wait3A_321 = arith.constant 1920 : i32
    %dma_wait3A_322 = tpu.memref_slice %arg2[%dma_wait3A_321] : memref<6912xf32, #tpu.memory_space<hbm>> -> memref<288xf32, #tpu.memory_space<hbm>>
    %dma_wait3A_323 = arith.constant 22384 : i32
    %dma_wait3A_324 = tpu.memref_slice %arg4[%dma_wait3A_323] : memref<32768xf32, #tpu.memory_space<vmem>> -> memref<288xf32, #tpu.memory_space<vmem>>
    %dma_wait3A_325 = arith.constant 1920 : i32
    %dma_wait3A_326 = tpu.memref_slice %arg2[%dma_wait3A_325] : memref<6912xf32, #tpu.memory_space<hbm>> -> memref<288xf32, #tpu.memory_space<hbm>>
    tpu.wait_dma2 semaphore(%arg6 : memref<!tpu.dma_semaphore, #tpu.memory_space<semaphore_mem>>) src(%dma_wait3A_326 : memref<288xf32, #tpu.memory_space<hbm>>) dst(%dma_wait3A_324 : memref<288xf32, #tpu.memory_space<vmem>>)
    %dma_wait3A_327 = arith.constant 22672 : i32
    %dma_wait3A_328 = tpu.memref_slice %arg4[%dma_wait3A_327] : memref<32768xf32, #tpu.memory_space<vmem>> -> memref<1904xf32, #tpu.memory_space<vmem>>
    %dma_wait3A_329 = arith.constant 4992 : i32
    %dma_wait3A_330 = tpu.memref_slice %arg2[%dma_wait3A_329] : memref<6912xf32, #tpu.memory_space<hbm>> -> memref<1904xf32, #tpu.memory_space<hbm>>
    %dma_wait3A_331 = arith.constant 22672 : i32
    %dma_wait3A_332 = tpu.memref_slice %arg4[%dma_wait3A_331] : memref<32768xf32, #tpu.memory_space<vmem>> -> memref<1904xf32, #tpu.memory_space<vmem>>
    %dma_wait3A_333 = arith.constant 4992 : i32
    %dma_wait3A_334 = tpu.memref_slice %arg2[%dma_wait3A_333] : memref<6912xf32, #tpu.memory_space<hbm>> -> memref<1904xf32, #tpu.memory_space<hbm>>
    tpu.wait_dma2 semaphore(%arg6 : memref<!tpu.dma_semaphore, #tpu.memory_space<semaphore_mem>>) src(%dma_wait3A_334 : memref<1904xf32, #tpu.memory_space<hbm>>) dst(%dma_wait3A_332 : memref<1904xf32, #tpu.memory_space<vmem>>)
    %dma_wait3A_335 = arith.constant 24576 : i32
    %dma_wait3A_336 = tpu.memref_slice %arg4[%dma_wait3A_335] : memref<32768xf32, #tpu.memory_space<vmem>> -> memref<1904xf32, #tpu.memory_space<vmem>>
    %dma_wait3A_337 = arith.constant 3072 : i32
    %dma_wait3A_338 = tpu.memref_slice %arg2[%dma_wait3A_337] : memref<6912xf32, #tpu.memory_space<hbm>> -> memref<1904xf32, #tpu.memory_space<hbm>>
    %dma_wait3A_339 = arith.constant 24576 : i32
    %dma_wait3A_340 = tpu.memref_slice %arg4[%dma_wait3A_339] : memref<32768xf32, #tpu.memory_space<vmem>> -> memref<1904xf32, #tpu.memory_space<vmem>>
    %dma_wait3A_341 = arith.constant 3072 : i32
    %dma_wait3A_342 = tpu.memref_slice %arg2[%dma_wait3A_341] : memref<6912xf32, #tpu.memory_space<hbm>> -> memref<1904xf32, #tpu.memory_space<hbm>>
    tpu.wait_dma2 semaphore(%arg6 : memref<!tpu.dma_semaphore, #tpu.memory_space<semaphore_mem>>) src(%dma_wait3A_342 : memref<1904xf32, #tpu.memory_space<hbm>>) dst(%dma_wait3A_340 : memref<1904xf32, #tpu.memory_space<vmem>>)
    %dma_wait3A_343 = arith.constant 26480 : i32
    %dma_wait3A_344 = tpu.memref_slice %arg4[%dma_wait3A_343] : memref<32768xf32, #tpu.memory_space<vmem>> -> memref<288xf32, #tpu.memory_space<vmem>>
    %dma_wait3A_345 = arith.constant 2304 : i32
    %dma_wait3A_346 = tpu.memref_slice %arg2[%dma_wait3A_345] : memref<6912xf32, #tpu.memory_space<hbm>> -> memref<288xf32, #tpu.memory_space<hbm>>
    %dma_wait3A_347 = arith.constant 26480 : i32
    %dma_wait3A_348 = tpu.memref_slice %arg4[%dma_wait3A_347] : memref<32768xf32, #tpu.memory_space<vmem>> -> memref<288xf32, #tpu.memory_space<vmem>>
    %dma_wait3A_349 = arith.constant 2304 : i32
    %dma_wait3A_350 = tpu.memref_slice %arg2[%dma_wait3A_349] : memref<6912xf32, #tpu.memory_space<hbm>> -> memref<288xf32, #tpu.memory_space<hbm>>
    tpu.wait_dma2 semaphore(%arg6 : memref<!tpu.dma_semaphore, #tpu.memory_space<semaphore_mem>>) src(%dma_wait3A_350 : memref<288xf32, #tpu.memory_space<hbm>>) dst(%dma_wait3A_348 : memref<288xf32, #tpu.memory_space<vmem>>)
    %dma_wait3A_351 = arith.constant 26768 : i32
    %dma_wait3A_352 = tpu.memref_slice %arg4[%dma_wait3A_351] : memref<32768xf32, #tpu.memory_space<vmem>> -> memref<1904xf32, #tpu.memory_space<vmem>>
    %dma_wait3A_353 = arith.constant 4992 : i32
    %dma_wait3A_354 = tpu.memref_slice %arg2[%dma_wait3A_353] : memref<6912xf32, #tpu.memory_space<hbm>> -> memref<1904xf32, #tpu.memory_space<hbm>>
    %dma_wait3A_355 = arith.constant 26768 : i32
    %dma_wait3A_356 = tpu.memref_slice %arg4[%dma_wait3A_355] : memref<32768xf32, #tpu.memory_space<vmem>> -> memref<1904xf32, #tpu.memory_space<vmem>>
    %dma_wait3A_357 = arith.constant 4992 : i32
    %dma_wait3A_358 = tpu.memref_slice %arg2[%dma_wait3A_357] : memref<6912xf32, #tpu.memory_space<hbm>> -> memref<1904xf32, #tpu.memory_space<hbm>>
    tpu.wait_dma2 semaphore(%arg6 : memref<!tpu.dma_semaphore, #tpu.memory_space<semaphore_mem>>) src(%dma_wait3A_358 : memref<1904xf32, #tpu.memory_space<hbm>>) dst(%dma_wait3A_356 : memref<1904xf32, #tpu.memory_space<vmem>>)
    %dma_wait3A_359 = arith.constant 28672 : i32
    %dma_wait3A_360 = tpu.memref_slice %arg4[%dma_wait3A_359] : memref<32768xf32, #tpu.memory_space<vmem>> -> memref<1904xf32, #tpu.memory_space<vmem>>
    %dma_wait3A_361 = arith.constant 3072 : i32
    %dma_wait3A_362 = tpu.memref_slice %arg2[%dma_wait3A_361] : memref<6912xf32, #tpu.memory_space<hbm>> -> memref<1904xf32, #tpu.memory_space<hbm>>
    %dma_wait3A_363 = arith.constant 28672 : i32
    %dma_wait3A_364 = tpu.memref_slice %arg4[%dma_wait3A_363] : memref<32768xf32, #tpu.memory_space<vmem>> -> memref<1904xf32, #tpu.memory_space<vmem>>
    %dma_wait3A_365 = arith.constant 3072 : i32
    %dma_wait3A_366 = tpu.memref_slice %arg2[%dma_wait3A_365] : memref<6912xf32, #tpu.memory_space<hbm>> -> memref<1904xf32, #tpu.memory_space<hbm>>
    tpu.wait_dma2 semaphore(%arg6 : memref<!tpu.dma_semaphore, #tpu.memory_space<semaphore_mem>>) src(%dma_wait3A_366 : memref<1904xf32, #tpu.memory_space<hbm>>) dst(%dma_wait3A_364 : memref<1904xf32, #tpu.memory_space<vmem>>)
    %dma_wait3A_367 = arith.constant 30576 : i32
    %dma_wait3A_368 = tpu.memref_slice %arg4[%dma_wait3A_367] : memref<32768xf32, #tpu.memory_space<vmem>> -> memref<288xf32, #tpu.memory_space<vmem>>
    %dma_wait3A_369 = arith.constant 2688 : i32
    %dma_wait3A_370 = tpu.memref_slice %arg2[%dma_wait3A_369] : memref<6912xf32, #tpu.memory_space<hbm>> -> memref<288xf32, #tpu.memory_space<hbm>>
    %dma_wait3A_371 = arith.constant 30576 : i32
    %dma_wait3A_372 = tpu.memref_slice %arg4[%dma_wait3A_371] : memref<32768xf32, #tpu.memory_space<vmem>> -> memref<288xf32, #tpu.memory_space<vmem>>
    %dma_wait3A_373 = arith.constant 2688 : i32
    %dma_wait3A_374 = tpu.memref_slice %arg2[%dma_wait3A_373] : memref<6912xf32, #tpu.memory_space<hbm>> -> memref<288xf32, #tpu.memory_space<hbm>>
    tpu.wait_dma2 semaphore(%arg6 : memref<!tpu.dma_semaphore, #tpu.memory_space<semaphore_mem>>) src(%dma_wait3A_374 : memref<288xf32, #tpu.memory_space<hbm>>) dst(%dma_wait3A_372 : memref<288xf32, #tpu.memory_space<vmem>>)
    %dma_wait3A_375 = arith.constant 30864 : i32
    %dma_wait3A_376 = tpu.memref_slice %arg4[%dma_wait3A_375] : memref<32768xf32, #tpu.memory_space<vmem>> -> memref<1904xf32, #tpu.memory_space<vmem>>
    %dma_wait3A_377 = arith.constant 4992 : i32
    %dma_wait3A_378 = tpu.memref_slice %arg2[%dma_wait3A_377] : memref<6912xf32, #tpu.memory_space<hbm>> -> memref<1904xf32, #tpu.memory_space<hbm>>
    %dma_wait3A_379 = arith.constant 30864 : i32
    %dma_wait3A_380 = tpu.memref_slice %arg4[%dma_wait3A_379] : memref<32768xf32, #tpu.memory_space<vmem>> -> memref<1904xf32, #tpu.memory_space<vmem>>
    %dma_wait3A_381 = arith.constant 4992 : i32
    %dma_wait3A_382 = tpu.memref_slice %arg2[%dma_wait3A_381] : memref<6912xf32, #tpu.memory_space<hbm>> -> memref<1904xf32, #tpu.memory_space<hbm>>
    tpu.wait_dma2 semaphore(%arg6 : memref<!tpu.dma_semaphore, #tpu.memory_space<semaphore_mem>>) src(%dma_wait3A_382 : memref<1904xf32, #tpu.memory_space<hbm>>) dst(%dma_wait3A_380 : memref<1904xf32, #tpu.memory_space<vmem>>)
    %mul3A_383 = arith.constant 128 : i32
    %mul3A_384 = arith.muli %add3A, %mul3A_383 : i32
    %shift_left3A = arith.constant 3 : i32
    %shift_left3A_385 = arith.shli %mul3A_384, %shift_left3A : i32
    %and3A = arith.constant 2047 : i32
    %and3A_386 = arith.andi %shift_left3A_385, %and3A : i32
    %sub3A = arith.constant 2047 : i32
    %sub3A_387 = arith.subi %sub3A, %and3A_386 : i32
    %sub3A_388 = arith.constant 7 : i32
    %sub3A_389 = arith.subi %sub3A_387, %sub3A_388 : i32
    %multiple_of3A = tpu.assume_multiple %sub3A_389, 8 : i32
    %parallel_loop3A = arith.constant 0 : i32
    %parallel_loop3A_390 = arith.constant 2048 : i32
    %parallel_loop3A_391 = arith.constant 32 : i32
    scf.for %parallel_loop3A_436 = %parallel_loop3A to %parallel_loop3A_390 step %parallel_loop3A_391  : i32 {
      %parallel_loop3A_437 = arith.constant 28672 : i32
      %parallel_loop3A_438 = arith.addi %parallel_loop3A_437, %multiple_of3A : i32
      %parallel_loop3A_439 = arith.addi %parallel_loop3A_438, %parallel_loop3A_436 : i32
      %parallel_loop3A_440 = arith.constant 0 : i32
      %parallel_loop3A_441 = arith.addi %parallel_loop3A_439, %parallel_loop3A_440 : i32
      %parallel_loop3A_442 = tpu.assume_multiple %parallel_loop3A_441, 8 : i32
      %parallel_loop3A_443 = arith.index_cast %parallel_loop3A_442 : i32 to index
      %parallel_loop3A_444 = tpu.vector_load %arg4[%parallel_loop3A_443] {strides = array<i32>} : memref<32768xf32, #tpu.memory_space<vmem>>, vector<16xf32>,
      %parallel_loop3A_445 = vector.shape_cast %parallel_loop3A_444 : vector<16xf32> to vector<16xf32>
      %parallel_loop3A_446 = arith.constant 28672 : i32
      %parallel_loop3A_447 = arith.addi %parallel_loop3A_446, %multiple_of3A : i32
      %parallel_loop3A_448 = arith.addi %parallel_loop3A_447, %parallel_loop3A_436 : i32
      %parallel_loop3A_449 = arith.constant 16 : i32
      %parallel_loop3A_450 = arith.addi %parallel_loop3A_448, %parallel_loop3A_449 : i32
      %parallel_loop3A_451 = tpu.assume_multiple %parallel_loop3A_450, 8 : i32
      %parallel_loop3A_452 = arith.index_cast %parallel_loop3A_451 : i32 to index
      %parallel_loop3A_453 = tpu.vector_load %arg4[%parallel_loop3A_452] {strides = array<i32>} : memref<32768xf32, #tpu.memory_space<vmem>>, vector<16xf32>,
      %parallel_loop3A_454 = vector.shape_cast %parallel_loop3A_453 : vector<16xf32> to vector<16xf32>
      %parallel_loop3A_455 = arith.constant 24576 : i32
      %parallel_loop3A_456 = arith.addi %parallel_loop3A_455, %multiple_of3A : i32
      %parallel_loop3A_457 = arith.addi %parallel_loop3A_456, %parallel_loop3A_436 : i32
      %parallel_loop3A_458 = arith.constant 0 : i32
      %parallel_loop3A_459 = arith.addi %parallel_loop3A_457, %parallel_loop3A_458 : i32
      %parallel_loop3A_460 = tpu.assume_multiple %parallel_loop3A_459, 8 : i32
      %parallel_loop3A_461 = arith.index_cast %parallel_loop3A_460 : i32 to index
      %parallel_loop3A_462 = tpu.vector_load %arg4[%parallel_loop3A_461] {strides = array<i32>} : memref<32768xf32, #tpu.memory_space<vmem>>, vector<16xf32>,
      %parallel_loop3A_463 = vector.shape_cast %parallel_loop3A_462 : vector<16xf32> to vector<16xf32>
      %parallel_loop3A_464 = arith.constant 24576 : i32
      %parallel_loop3A_465 = arith.addi %parallel_loop3A_464, %multiple_of3A : i32
      %parallel_loop3A_466 = arith.addi %parallel_loop3A_465, %parallel_loop3A_436 : i32
      %parallel_loop3A_467 = arith.constant 16 : i32
      %parallel_loop3A_468 = arith.addi %parallel_loop3A_466, %parallel_loop3A_467 : i32
      %parallel_loop3A_469 = tpu.assume_multiple %parallel_loop3A_468, 8 : i32
      %parallel_loop3A_470 = arith.index_cast %parallel_loop3A_469 : i32 to index
      %parallel_loop3A_471 = tpu.vector_load %arg4[%parallel_loop3A_470] {strides = array<i32>} : memref<32768xf32, #tpu.memory_space<vmem>>, vector<16xf32>,
      %parallel_loop3A_472 = vector.shape_cast %parallel_loop3A_471 : vector<16xf32> to vector<16xf32>
      %parallel_loop3A_473 = arith.constant 20480 : i32
      %parallel_loop3A_474 = arith.addi %parallel_loop3A_473, %multiple_of3A : i32
      %parallel_loop3A_475 = arith.addi %parallel_loop3A_474, %parallel_loop3A_436 : i32
      %parallel_loop3A_476 = arith.constant 0 : i32
      %parallel_loop3A_477 = arith.addi %parallel_loop3A_475, %parallel_loop3A_476 : i32
      %parallel_loop3A_478 = tpu.assume_multiple %parallel_loop3A_477, 8 : i32
      %parallel_loop3A_479 = arith.index_cast %parallel_loop3A_478 : i32 to index
      %parallel_loop3A_480 = tpu.vector_load %arg4[%parallel_loop3A_479] {strides = array<i32>} : memref<32768xf32, #tpu.memory_space<vmem>>, vector<16xf32>,
      %parallel_loop3A_481 = vector.shape_cast %parallel_loop3A_480 : vector<16xf32> to vector<16xf32>
      %parallel_loop3A_482 = arith.constant 20480 : i32
      %parallel_loop3A_483 = arith.addi %parallel_loop3A_482, %multiple_of3A : i32
      %parallel_loop3A_484 = arith.addi %parallel_loop3A_483, %parallel_loop3A_436 : i32
      %parallel_loop3A_485 = arith.constant 16 : i32
      %parallel_loop3A_486 = arith.addi %parallel_loop3A_484, %parallel_loop3A_485 : i32
      %parallel_loop3A_487 = tpu.assume_multiple %parallel_loop3A_486, 8 : i32
      %parallel_loop3A_488 = arith.index_cast %parallel_loop3A_487 : i32 to index
      %parallel_loop3A_489 = tpu.vector_load %arg4[%parallel_loop3A_488] {strides = array<i32>} : memref<32768xf32, #tpu.memory_space<vmem>>, vector<16xf32>,
      %parallel_loop3A_490 = vector.shape_cast %parallel_loop3A_489 : vector<16xf32> to vector<16xf32>
      %parallel_loop3A_491 = arith.constant 16384 : i32
      %parallel_loop3A_492 = arith.addi %parallel_loop3A_491, %multiple_of3A : i32
      %parallel_loop3A_493 = arith.addi %parallel_loop3A_492, %parallel_loop3A_436 : i32
      %parallel_loop3A_494 = arith.constant 0 : i32
      %parallel_loop3A_495 = arith.addi %parallel_loop3A_493, %parallel_loop3A_494 : i32
      %parallel_loop3A_496 = tpu.assume_multiple %parallel_loop3A_495, 8 : i32
      %parallel_loop3A_497 = arith.index_cast %parallel_loop3A_496 : i32 to index
      %parallel_loop3A_498 = tpu.vector_load %arg4[%parallel_loop3A_497] {strides = array<i32>} : memref<32768xf32, #tpu.memory_space<vmem>>, vector<16xf32>,
      %parallel_loop3A_499 = vector.shape_cast %parallel_loop3A_498 : vector<16xf32> to vector<16xf32>
      %parallel_loop3A_500 = arith.constant 16384 : i32
      %parallel_loop3A_501 = arith.addi %parallel_loop3A_500, %multiple_of3A : i32
      %parallel_loop3A_502 = arith.addi %parallel_loop3A_501, %parallel_loop3A_436 : i32
      %parallel_loop3A_503 = arith.constant 16 : i32
      %parallel_loop3A_504 = arith.addi %parallel_loop3A_502, %parallel_loop3A_503 : i32
      %parallel_loop3A_505 = tpu.assume_multiple %parallel_loop3A_504, 8 : i32
      %parallel_loop3A_506 = arith.index_cast %parallel_loop3A_505 : i32 to index
      %parallel_loop3A_507 = tpu.vector_load %arg4[%parallel_loop3A_506] {strides = array<i32>} : memref<32768xf32, #tpu.memory_space<vmem>>, vector<16xf32>,
      %parallel_loop3A_508 = vector.shape_cast %parallel_loop3A_507 : vector<16xf32> to vector<16xf32>
      %parallel_loop3A_509 = arith.constant 12288 : i32
      %parallel_loop3A_510 = arith.addi %parallel_loop3A_509, %multiple_of3A : i32
      %parallel_loop3A_511 = arith.addi %parallel_loop3A_510, %parallel_loop3A_436 : i32
      %parallel_loop3A_512 = arith.constant 0 : i32
      %parallel_loop3A_513 = arith.addi %parallel_loop3A_511, %parallel_loop3A_512 : i32
      %parallel_loop3A_514 = tpu.assume_multiple %parallel_loop3A_513, 8 : i32
      %parallel_loop3A_515 = arith.index_cast %parallel_loop3A_514 : i32 to index
      %parallel_loop3A_516 = tpu.vector_load %arg4[%parallel_loop3A_515] {strides = array<i32>} : memref<32768xf32, #tpu.memory_space<vmem>>, vector<16xf32>,
      %parallel_loop3A_517 = vector.shape_cast %parallel_loop3A_516 : vector<16xf32> to vector<16xf32>
      %parallel_loop3A_518 = arith.constant 12288 : i32
      %parallel_loop3A_519 = arith.addi %parallel_loop3A_518, %multiple_of3A : i32
      %parallel_loop3A_520 = arith.addi %parallel_loop3A_519, %parallel_loop3A_436 : i32
      %parallel_loop3A_521 = arith.constant 16 : i32
      %parallel_loop3A_522 = arith.addi %parallel_loop3A_520, %parallel_loop3A_521 : i32
      %parallel_loop3A_523 = tpu.assume_multiple %parallel_loop3A_522, 8 : i32
      %parallel_loop3A_524 = arith.index_cast %parallel_loop3A_523 : i32 to index
      %parallel_loop3A_525 = tpu.vector_load %arg4[%parallel_loop3A_524] {strides = array<i32>} : memref<32768xf32, #tpu.memory_space<vmem>>, vector<16xf32>,
      %parallel_loop3A_526 = vector.shape_cast %parallel_loop3A_525 : vector<16xf32> to vector<16xf32>
      %parallel_loop3A_527 = arith.constant 8192 : i32
      %parallel_loop3A_528 = arith.addi %parallel_loop3A_527, %multiple_of3A : i32
      %parallel_loop3A_529 = arith.addi %parallel_loop3A_528, %parallel_loop3A_436 : i32
      %parallel_loop3A_530 = arith.constant 0 : i32
      %parallel_loop3A_531 = arith.addi %parallel_loop3A_529, %parallel_loop3A_530 : i32
      %parallel_loop3A_532 = tpu.assume_multiple %parallel_loop3A_531, 8 : i32
      %parallel_loop3A_533 = arith.index_cast %parallel_loop3A_532 : i32 to index
      %parallel_loop3A_534 = tpu.vector_load %arg4[%parallel_loop3A_533] {strides = array<i32>} : memref<32768xf32, #tpu.memory_space<vmem>>, vector<16xf32>,
      %parallel_loop3A_535 = vector.shape_cast %parallel_loop3A_534 : vector<16xf32> to vector<16xf32>
      %parallel_loop3A_536 = arith.constant 8192 : i32
      %parallel_loop3A_537 = arith.addi %parallel_loop3A_536, %multiple_of3A : i32
      %parallel_loop3A_538 = arith.addi %parallel_loop3A_537, %parallel_loop3A_436 : i32
      %parallel_loop3A_539 = arith.constant 16 : i32
      %parallel_loop3A_540 = arith.addi %parallel_loop3A_538, %parallel_loop3A_539 : i32
      %parallel_loop3A_541 = tpu.assume_multiple %parallel_loop3A_540, 8 : i32
      %parallel_loop3A_542 = arith.index_cast %parallel_loop3A_541 : i32 to index
      %parallel_loop3A_543 = tpu.vector_load %arg4[%parallel_loop3A_542] {strides = array<i32>} : memref<32768xf32, #tpu.memory_space<vmem>>, vector<16xf32>,
      %parallel_loop3A_544 = vector.shape_cast %parallel_loop3A_543 : vector<16xf32> to vector<16xf32>
      %parallel_loop3A_545 = arith.constant 4096 : i32
      %parallel_loop3A_546 = arith.addi %parallel_loop3A_545, %multiple_of3A : i32
      %parallel_loop3A_547 = arith.addi %parallel_loop3A_546, %parallel_loop3A_436 : i32
      %parallel_loop3A_548 = arith.constant 0 : i32
      %parallel_loop3A_549 = arith.addi %parallel_loop3A_547, %parallel_loop3A_548 : i32
      %parallel_loop3A_550 = tpu.assume_multiple %parallel_loop3A_549, 8 : i32
      %parallel_loop3A_551 = arith.index_cast %parallel_loop3A_550 : i32 to index
      %parallel_loop3A_552 = tpu.vector_load %arg4[%parallel_loop3A_551] {strides = array<i32>} : memref<32768xf32, #tpu.memory_space<vmem>>, vector<16xf32>,
      %parallel_loop3A_553 = vector.shape_cast %parallel_loop3A_552 : vector<16xf32> to vector<16xf32>
      %parallel_loop3A_554 = arith.constant 4096 : i32
      %parallel_loop3A_555 = arith.addi %parallel_loop3A_554, %multiple_of3A : i32
      %parallel_loop3A_556 = arith.addi %parallel_loop3A_555, %parallel_loop3A_436 : i32
      %parallel_loop3A_557 = arith.constant 16 : i32
      %parallel_loop3A_558 = arith.addi %parallel_loop3A_556, %parallel_loop3A_557 : i32
      %parallel_loop3A_559 = tpu.assume_multiple %parallel_loop3A_558, 8 : i32
      %parallel_loop3A_560 = arith.index_cast %parallel_loop3A_559 : i32 to index
      %parallel_loop3A_561 = tpu.vector_load %arg4[%parallel_loop3A_560] {strides = array<i32>} : memref<32768xf32, #tpu.memory_space<vmem>>, vector<16xf32>,
      %parallel_loop3A_562 = vector.shape_cast %parallel_loop3A_561 : vector<16xf32> to vector<16xf32>
      %parallel_loop3A_563 = arith.constant 0 : i32
      %parallel_loop3A_564 = arith.addi %parallel_loop3A_563, %multiple_of3A : i32
      %parallel_loop3A_565 = arith.addi %parallel_loop3A_564, %parallel_loop3A_436 : i32
      %parallel_loop3A_566 = arith.constant 0 : i32
      %parallel_loop3A_567 = arith.addi %parallel_loop3A_565, %parallel_loop3A_566 : i32
      %parallel_loop3A_568 = tpu.assume_multiple %parallel_loop3A_567, 8 : i32
      %parallel_loop3A_569 = arith.index_cast %parallel_loop3A_568 : i32 to index
      %parallel_loop3A_570 = tpu.vector_load %arg4[%parallel_loop3A_569] {strides = array<i32>} : memref<32768xf32, #tpu.memory_space<vmem>>, vector<16xf32>,
      %parallel_loop3A_571 = vector.shape_cast %parallel_loop3A_570 : vector<16xf32> to vector<16xf32>
      %parallel_loop3A_572 = arith.constant 0 : i32
      %parallel_loop3A_573 = arith.addi %parallel_loop3A_572, %multiple_of3A : i32
      %parallel_loop3A_574 = arith.addi %parallel_loop3A_573, %parallel_loop3A_436 : i32
      %parallel_loop3A_575 = arith.constant 16 : i32
      %parallel_loop3A_576 = arith.addi %parallel_loop3A_574, %parallel_loop3A_575 : i32
      %parallel_loop3A_577 = tpu.assume_multiple %parallel_loop3A_576, 8 : i32
      %parallel_loop3A_578 = arith.index_cast %parallel_loop3A_577 : i32 to index
      %parallel_loop3A_579 = tpu.vector_load %arg4[%parallel_loop3A_578] {strides = array<i32>} : memref<32768xf32, #tpu.memory_space<vmem>>, vector<16xf32>,
      %parallel_loop3A_580 = vector.shape_cast %parallel_loop3A_579 : vector<16xf32> to vector<16xf32>
      %parallel_loop3A_581 = arith.constant 0 : i32
      %parallel_loop3A_582 = arith.addi %parallel_loop3A_436, %parallel_loop3A_581 : i32
      %parallel_loop3A_583 = arith.constant 0 : i32
      %parallel_loop3A_584 = arith.constant 0 : i32
      %parallel_loop3A_585 = arith.index_cast %parallel_loop3A_583 : i32 to index
      %parallel_loop3A_586 = arith.index_cast %parallel_loop3A_584 : i32 to index
      %parallel_loop3A_587 = arith.index_cast %parallel_loop3A_582 : i32 to index
      %parallel_loop3A_588 = tpu.vector_load %arg5[%parallel_loop3A_585, %parallel_loop3A_586, %parallel_loop3A_587] {strides = array<i32>} : memref<2x8x2048xf32, #tpu.memory_space<vmem>>, vector<1x1x16xf32>,
      %parallel_loop3A_589 = vector.shape_cast %parallel_loop3A_588 : vector<1x1x16xf32> to vector<16xf32>
      %parallel_loop3A_590 = vector.shape_cast %parallel_loop3A_445 : vector<16xf32> to vector<1x1x16xf32>
      tpu.vector_store %arg5[%parallel_loop3A_585, %parallel_loop3A_586, %parallel_loop3A_587], %parallel_loop3A_590 {strides = array<i32>} : memref<2x8x2048xf32, #tpu.memory_space<vmem>>, vector<1x1x16xf32>,
      %parallel_loop3A_591 = arith.constant 16 : i32
      %parallel_loop3A_592 = arith.addi %parallel_loop3A_436, %parallel_loop3A_591 : i32
      %parallel_loop3A_593 = arith.constant 0 : i32
      %parallel_loop3A_594 = arith.constant 0 : i32
      %parallel_loop3A_595 = arith.index_cast %parallel_loop3A_593 : i32 to index
      %parallel_loop3A_596 = arith.index_cast %parallel_loop3A_594 : i32 to index
      %parallel_loop3A_597 = arith.index_cast %parallel_loop3A_592 : i32 to index
      %parallel_loop3A_598 = tpu.vector_load %arg5[%parallel_loop3A_595, %parallel_loop3A_596, %parallel_loop3A_597] {strides = array<i32>} : memref<2x8x2048xf32, #tpu.memory_space<vmem>>, vector<1x1x16xf32>,
      %parallel_loop3A_599 = vector.shape_cast %parallel_loop3A_598 : vector<1x1x16xf32> to vector<16xf32>
      %parallel_loop3A_600 = vector.shape_cast %parallel_loop3A_454 : vector<16xf32> to vector<1x1x16xf32>
      tpu.vector_store %arg5[%parallel_loop3A_595, %parallel_loop3A_596, %parallel_loop3A_597], %parallel_loop3A_600 {strides = array<i32>} : memref<2x8x2048xf32, #tpu.memory_space<vmem>>, vector<1x1x16xf32>,
      %parallel_loop3A_601 = arith.constant 0 : i32
      %parallel_loop3A_602 = arith.addi %parallel_loop3A_436, %parallel_loop3A_601 : i32
      %parallel_loop3A_603 = arith.constant 0 : i32
      %parallel_loop3A_604 = arith.constant 1 : i32
      %parallel_loop3A_605 = arith.index_cast %parallel_loop3A_603 : i32 to index
      %parallel_loop3A_606 = arith.index_cast %parallel_loop3A_604 : i32 to index
      %parallel_loop3A_607 = arith.index_cast %parallel_loop3A_602 : i32 to index
      %parallel_loop3A_608 = tpu.vector_load %arg5[%parallel_loop3A_605, %parallel_loop3A_606, %parallel_loop3A_607] {strides = array<i32>} : memref<2x8x2048xf32, #tpu.memory_space<vmem>>, vector<1x1x16xf32>,
      %parallel_loop3A_609 = vector.shape_cast %parallel_loop3A_608 : vector<1x1x16xf32> to vector<16xf32>
      %parallel_loop3A_610 = vector.shape_cast %parallel_loop3A_463 : vector<16xf32> to vector<1x1x16xf32>
      tpu.vector_store %arg5[%parallel_loop3A_605, %parallel_loop3A_606, %parallel_loop3A_607], %parallel_loop3A_610 {strides = array<i32>} : memref<2x8x2048xf32, #tpu.memory_space<vmem>>, vector<1x1x16xf32>,
      %parallel_loop3A_611 = arith.constant 16 : i32
      %parallel_loop3A_612 = arith.addi %parallel_loop3A_436, %parallel_loop3A_611 : i32
      %parallel_loop3A_613 = arith.constant 0 : i32
      %parallel_loop3A_614 = arith.constant 1 : i32
      %parallel_loop3A_615 = arith.index_cast %parallel_loop3A_613 : i32 to index
      %parallel_loop3A_616 = arith.index_cast %parallel_loop3A_614 : i32 to index
      %parallel_loop3A_617 = arith.index_cast %parallel_loop3A_612 : i32 to index
      %parallel_loop3A_618 = tpu.vector_load %arg5[%parallel_loop3A_615, %parallel_loop3A_616, %parallel_loop3A_617] {strides = array<i32>} : memref<2x8x2048xf32, #tpu.memory_space<vmem>>, vector<1x1x16xf32>,
      %parallel_loop3A_619 = vector.shape_cast %parallel_loop3A_618 : vector<1x1x16xf32> to vector<16xf32>
      %parallel_loop3A_620 = vector.shape_cast %parallel_loop3A_472 : vector<16xf32> to vector<1x1x16xf32>
      tpu.vector_store %arg5[%parallel_loop3A_615, %parallel_loop3A_616, %parallel_loop3A_617], %parallel_loop3A_620 {strides = array<i32>} : memref<2x8x2048xf32, #tpu.memory_space<vmem>>, vector<1x1x16xf32>,
      %parallel_loop3A_621 = arith.constant 0 : i32
      %parallel_loop3A_622 = arith.addi %parallel_loop3A_436, %parallel_loop3A_621 : i32
      %parallel_loop3A_623 = arith.constant 0 : i32
      %parallel_loop3A_624 = arith.constant 2 : i32
      %parallel_loop3A_625 = arith.index_cast %parallel_loop3A_623 : i32 to index
      %parallel_loop3A_626 = arith.index_cast %parallel_loop3A_624 : i32 to index
      %parallel_loop3A_627 = arith.index_cast %parallel_loop3A_622 : i32 to index
      %parallel_loop3A_628 = tpu.vector_load %arg5[%parallel_loop3A_625, %parallel_loop3A_626, %parallel_loop3A_627] {strides = array<i32>} : memref<2x8x2048xf32, #tpu.memory_space<vmem>>, vector<1x1x16xf32>,
      %parallel_loop3A_629 = vector.shape_cast %parallel_loop3A_628 : vector<1x1x16xf32> to vector<16xf32>
      %parallel_loop3A_630 = vector.shape_cast %parallel_loop3A_481 : vector<16xf32> to vector<1x1x16xf32>
      tpu.vector_store %arg5[%parallel_loop3A_625, %parallel_loop3A_626, %parallel_loop3A_627], %parallel_loop3A_630 {strides = array<i32>} : memref<2x8x2048xf32, #tpu.memory_space<vmem>>, vector<1x1x16xf32>,
      %parallel_loop3A_631 = arith.constant 16 : i32
      %parallel_loop3A_632 = arith.addi %parallel_loop3A_436, %parallel_loop3A_631 : i32
      %parallel_loop3A_633 = arith.constant 0 : i32
      %parallel_loop3A_634 = arith.constant 2 : i32
      %parallel_loop3A_635 = arith.index_cast %parallel_loop3A_633 : i32 to index
      %parallel_loop3A_636 = arith.index_cast %parallel_loop3A_634 : i32 to index
      %parallel_loop3A_637 = arith.index_cast %parallel_loop3A_632 : i32 to index
      %parallel_loop3A_638 = tpu.vector_load %arg5[%parallel_loop3A_635, %parallel_loop3A_636, %parallel_loop3A_637] {strides = array<i32>} : memref<2x8x2048xf32, #tpu.memory_space<vmem>>, vector<1x1x16xf32>,
      %parallel_loop3A_639 = vector.shape_cast %parallel_loop3A_638 : vector<1x1x16xf32> to vector<16xf32>
      %parallel_loop3A_640 = vector.shape_cast %parallel_loop3A_490 : vector<16xf32> to vector<1x1x16xf32>
      tpu.vector_store %arg5[%parallel_loop3A_635, %parallel_loop3A_636, %parallel_loop3A_637], %parallel_loop3A_640 {strides = array<i32>} : memref<2x8x2048xf32, #tpu.memory_space<vmem>>, vector<1x1x16xf32>,
      %parallel_loop3A_641 = arith.constant 0 : i32
      %parallel_loop3A_642 = arith.addi %parallel_loop3A_436, %parallel_loop3A_641 : i32
      %parallel_loop3A_643 = arith.constant 0 : i32
      %parallel_loop3A_644 = arith.constant 3 : i32
      %parallel_loop3A_645 = arith.index_cast %parallel_loop3A_643 : i32 to index
      %parallel_loop3A_646 = arith.index_cast %parallel_loop3A_644 : i32 to index
      %parallel_loop3A_647 = arith.index_cast %parallel_loop3A_642 : i32 to index
      %parallel_loop3A_648 = tpu.vector_load %arg5[%parallel_loop3A_645, %parallel_loop3A_646, %parallel_loop3A_647] {strides = array<i32>} : memref<2x8x2048xf32, #tpu.memory_space<vmem>>, vector<1x1x16xf32>,
      %parallel_loop3A_649 = vector.shape_cast %parallel_loop3A_648 : vector<1x1x16xf32> to vector<16xf32>
      %parallel_loop3A_650 = vector.shape_cast %parallel_loop3A_499 : vector<16xf32> to vector<1x1x16xf32>
      tpu.vector_store %arg5[%parallel_loop3A_645, %parallel_loop3A_646, %parallel_loop3A_647], %parallel_loop3A_650 {strides = array<i32>} : memref<2x8x2048xf32, #tpu.memory_space<vmem>>, vector<1x1x16xf32>,
      %parallel_loop3A_651 = arith.constant 16 : i32
      %parallel_loop3A_652 = arith.addi %parallel_loop3A_436, %parallel_loop3A_651 : i32
      %parallel_loop3A_653 = arith.constant 0 : i32
      %parallel_loop3A_654 = arith.constant 3 : i32
      %parallel_loop3A_655 = arith.index_cast %parallel_loop3A_653 : i32 to index
      %parallel_loop3A_656 = arith.index_cast %parallel_loop3A_654 : i32 to index
      %parallel_loop3A_657 = arith.index_cast %parallel_loop3A_652 : i32 to index
      %parallel_loop3A_658 = tpu.vector_load %arg5[%parallel_loop3A_655, %parallel_loop3A_656, %parallel_loop3A_657] {strides = array<i32>} : memref<2x8x2048xf32, #tpu.memory_space<vmem>>, vector<1x1x16xf32>,
      %parallel_loop3A_659 = vector.shape_cast %parallel_loop3A_658 : vector<1x1x16xf32> to vector<16xf32>
      %parallel_loop3A_660 = vector.shape_cast %parallel_loop3A_508 : vector<16xf32> to vector<1x1x16xf32>
      tpu.vector_store %arg5[%parallel_loop3A_655, %parallel_loop3A_656, %parallel_loop3A_657], %parallel_loop3A_660 {strides = array<i32>} : memref<2x8x2048xf32, #tpu.memory_space<vmem>>, vector<1x1x16xf32>,
      %parallel_loop3A_661 = arith.constant 0 : i32
      %parallel_loop3A_662 = arith.addi %parallel_loop3A_436, %parallel_loop3A_661 : i32
      %parallel_loop3A_663 = arith.constant 0 : i32
      %parallel_loop3A_664 = arith.constant 4 : i32
      %parallel_loop3A_665 = arith.index_cast %parallel_loop3A_663 : i32 to index
      %parallel_loop3A_666 = arith.index_cast %parallel_loop3A_664 : i32 to index
      %parallel_loop3A_667 = arith.index_cast %parallel_loop3A_662 : i32 to index
      %parallel_loop3A_668 = tpu.vector_load %arg5[%parallel_loop3A_665, %parallel_loop3A_666, %parallel_loop3A_667] {strides = array<i32>} : memref<2x8x2048xf32, #tpu.memory_space<vmem>>, vector<1x1x16xf32>,
      %parallel_loop3A_669 = vector.shape_cast %parallel_loop3A_668 : vector<1x1x16xf32> to vector<16xf32>
      %parallel_loop3A_670 = vector.shape_cast %parallel_loop3A_517 : vector<16xf32> to vector<1x1x16xf32>
      tpu.vector_store %arg5[%parallel_loop3A_665, %parallel_loop3A_666, %parallel_loop3A_667], %parallel_loop3A_670 {strides = array<i32>} : memref<2x8x2048xf32, #tpu.memory_space<vmem>>, vector<1x1x16xf32>,
      %parallel_loop3A_671 = arith.constant 16 : i32
      %parallel_loop3A_672 = arith.addi %parallel_loop3A_436, %parallel_loop3A_671 : i32
      %parallel_loop3A_673 = arith.constant 0 : i32
      %parallel_loop3A_674 = arith.constant 4 : i32
      %parallel_loop3A_675 = arith.index_cast %parallel_loop3A_673 : i32 to index
      %parallel_loop3A_676 = arith.index_cast %parallel_loop3A_674 : i32 to index
      %parallel_loop3A_677 = arith.index_cast %parallel_loop3A_672 : i32 to index
      %parallel_loop3A_678 = tpu.vector_load %arg5[%parallel_loop3A_675, %parallel_loop3A_676, %parallel_loop3A_677] {strides = array<i32>} : memref<2x8x2048xf32, #tpu.memory_space<vmem>>, vector<1x1x16xf32>,
      %parallel_loop3A_679 = vector.shape_cast %parallel_loop3A_678 : vector<1x1x16xf32> to vector<16xf32>
      %parallel_loop3A_680 = vector.shape_cast %parallel_loop3A_526 : vector<16xf32> to vector<1x1x16xf32>
      tpu.vector_store %arg5[%parallel_loop3A_675, %parallel_loop3A_676, %parallel_loop3A_677], %parallel_loop3A_680 {strides = array<i32>} : memref<2x8x2048xf32, #tpu.memory_space<vmem>>, vector<1x1x16xf32>,
      %parallel_loop3A_681 = arith.constant 0 : i32
      %parallel_loop3A_682 = arith.addi %parallel_loop3A_436, %parallel_loop3A_681 : i32
      %parallel_loop3A_683 = arith.constant 0 : i32
      %parallel_loop3A_684 = arith.constant 5 : i32
      %parallel_loop3A_685 = arith.index_cast %parallel_loop3A_683 : i32 to index
      %parallel_loop3A_686 = arith.index_cast %parallel_loop3A_684 : i32 to index
      %parallel_loop3A_687 = arith.index_cast %parallel_loop3A_682 : i32 to index
      %parallel_loop3A_688 = tpu.vector_load %arg5[%parallel_loop3A_685, %parallel_loop3A_686, %parallel_loop3A_687] {strides = array<i32>} : memref<2x8x2048xf32, #tpu.memory_space<vmem>>, vector<1x1x16xf32>,
      %parallel_loop3A_689 = vector.shape_cast %parallel_loop3A_688 : vector<1x1x16xf32> to vector<16xf32>
      %parallel_loop3A_690 = vector.shape_cast %parallel_loop3A_535 : vector<16xf32> to vector<1x1x16xf32>
      tpu.vector_store %arg5[%parallel_loop3A_685, %parallel_loop3A_686, %parallel_loop3A_687], %parallel_loop3A_690 {strides = array<i32>} : memref<2x8x2048xf32, #tpu.memory_space<vmem>>, vector<1x1x16xf32>,
      %parallel_loop3A_691 = arith.constant 16 : i32
      %parallel_loop3A_692 = arith.addi %parallel_loop3A_436, %parallel_loop3A_691 : i32
      %parallel_loop3A_693 = arith.constant 0 : i32
      %parallel_loop3A_694 = arith.constant 5 : i32
      %parallel_loop3A_695 = arith.index_cast %parallel_loop3A_693 : i32 to index
      %parallel_loop3A_696 = arith.index_cast %parallel_loop3A_694 : i32 to index
      %parallel_loop3A_697 = arith.index_cast %parallel_loop3A_692 : i32 to index
      %parallel_loop3A_698 = tpu.vector_load %arg5[%parallel_loop3A_695, %parallel_loop3A_696, %parallel_loop3A_697] {strides = array<i32>} : memref<2x8x2048xf32, #tpu.memory_space<vmem>>, vector<1x1x16xf32>,
      %parallel_loop3A_699 = vector.shape_cast %parallel_loop3A_698 : vector<1x1x16xf32> to vector<16xf32>
      %parallel_loop3A_700 = vector.shape_cast %parallel_loop3A_544 : vector<16xf32> to vector<1x1x16xf32>
      tpu.vector_store %arg5[%parallel_loop3A_695, %parallel_loop3A_696, %parallel_loop3A_697], %parallel_loop3A_700 {strides = array<i32>} : memref<2x8x2048xf32, #tpu.memory_space<vmem>>, vector<1x1x16xf32>,
      %parallel_loop3A_701 = arith.constant 0 : i32
      %parallel_loop3A_702 = arith.addi %parallel_loop3A_436, %parallel_loop3A_701 : i32
      %parallel_loop3A_703 = arith.constant 0 : i32
      %parallel_loop3A_704 = arith.constant 6 : i32
      %parallel_loop3A_705 = arith.index_cast %parallel_loop3A_703 : i32 to index
      %parallel_loop3A_706 = arith.index_cast %parallel_loop3A_704 : i32 to index
      %parallel_loop3A_707 = arith.index_cast %parallel_loop3A_702 : i32 to index
      %parallel_loop3A_708 = tpu.vector_load %arg5[%parallel_loop3A_705, %parallel_loop3A_706, %parallel_loop3A_707] {strides = array<i32>} : memref<2x8x2048xf32, #tpu.memory_space<vmem>>, vector<1x1x16xf32>,
      %parallel_loop3A_709 = vector.shape_cast %parallel_loop3A_708 : vector<1x1x16xf32> to vector<16xf32>
      %parallel_loop3A_710 = vector.shape_cast %parallel_loop3A_553 : vector<16xf32> to vector<1x1x16xf32>
      tpu.vector_store %arg5[%parallel_loop3A_705, %parallel_loop3A_706, %parallel_loop3A_707], %parallel_loop3A_710 {strides = array<i32>} : memref<2x8x2048xf32, #tpu.memory_space<vmem>>, vector<1x1x16xf32>,
      %parallel_loop3A_711 = arith.constant 16 : i32
      %parallel_loop3A_712 = arith.addi %parallel_loop3A_436, %parallel_loop3A_711 : i32
      %parallel_loop3A_713 = arith.constant 0 : i32
      %parallel_loop3A_714 = arith.constant 6 : i32
      %parallel_loop3A_715 = arith.index_cast %parallel_loop3A_713 : i32 to index
      %parallel_loop3A_716 = arith.index_cast %parallel_loop3A_714 : i32 to index
      %parallel_loop3A_717 = arith.index_cast %parallel_loop3A_712 : i32 to index
      %parallel_loop3A_718 = tpu.vector_load %arg5[%parallel_loop3A_715, %parallel_loop3A_716, %parallel_loop3A_717] {strides = array<i32>} : memref<2x8x2048xf32, #tpu.memory_space<vmem>>, vector<1x1x16xf32>,
      %parallel_loop3A_719 = vector.shape_cast %parallel_loop3A_718 : vector<1x1x16xf32> to vector<16xf32>
      %parallel_loop3A_720 = vector.shape_cast %parallel_loop3A_562 : vector<16xf32> to vector<1x1x16xf32>
      tpu.vector_store %arg5[%parallel_loop3A_715, %parallel_loop3A_716, %parallel_loop3A_717], %parallel_loop3A_720 {strides = array<i32>} : memref<2x8x2048xf32, #tpu.memory_space<vmem>>, vector<1x1x16xf32>,
      %parallel_loop3A_721 = arith.constant 0 : i32
      %parallel_loop3A_722 = arith.addi %parallel_loop3A_436, %parallel_loop3A_721 : i32
      %parallel_loop3A_723 = arith.constant 0 : i32
      %parallel_loop3A_724 = arith.constant 7 : i32
      %parallel_loop3A_725 = arith.index_cast %parallel_loop3A_723 : i32 to index
      %parallel_loop3A_726 = arith.index_cast %parallel_loop3A_724 : i32 to index
      %parallel_loop3A_727 = arith.index_cast %parallel_loop3A_722 : i32 to index
      %parallel_loop3A_728 = tpu.vector_load %arg5[%parallel_loop3A_725, %parallel_loop3A_726, %parallel_loop3A_727] {strides = array<i32>} : memref<2x8x2048xf32, #tpu.memory_space<vmem>>, vector<1x1x16xf32>,
      %parallel_loop3A_729 = vector.shape_cast %parallel_loop3A_728 : vector<1x1x16xf32> to vector<16xf32>
      %parallel_loop3A_730 = vector.shape_cast %parallel_loop3A_571 : vector<16xf32> to vector<1x1x16xf32>
      tpu.vector_store %arg5[%parallel_loop3A_725, %parallel_loop3A_726, %parallel_loop3A_727], %parallel_loop3A_730 {strides = array<i32>} : memref<2x8x2048xf32, #tpu.memory_space<vmem>>, vector<1x1x16xf32>,
      %parallel_loop3A_731 = arith.constant 16 : i32
      %parallel_loop3A_732 = arith.addi %parallel_loop3A_436, %parallel_loop3A_731 : i32
      %parallel_loop3A_733 = arith.constant 0 : i32
      %parallel_loop3A_734 = arith.constant 7 : i32
      %parallel_loop3A_735 = arith.index_cast %parallel_loop3A_733 : i32 to index
      %parallel_loop3A_736 = arith.index_cast %parallel_loop3A_734 : i32 to index
      %parallel_loop3A_737 = arith.index_cast %parallel_loop3A_732 : i32 to index
      %parallel_loop3A_738 = tpu.vector_load %arg5[%parallel_loop3A_735, %parallel_loop3A_736, %parallel_loop3A_737] {strides = array<i32>} : memref<2x8x2048xf32, #tpu.memory_space<vmem>>, vector<1x1x16xf32>,
      %parallel_loop3A_739 = vector.shape_cast %parallel_loop3A_738 : vector<1x1x16xf32> to vector<16xf32>
      %parallel_loop3A_740 = vector.shape_cast %parallel_loop3A_580 : vector<16xf32> to vector<1x1x16xf32>
      tpu.vector_store %arg5[%parallel_loop3A_735, %parallel_loop3A_736, %parallel_loop3A_737], %parallel_loop3A_740 {strides = array<i32>} : memref<2x8x2048xf32, #tpu.memory_space<vmem>>, vector<1x1x16xf32>,
    } {sc.loop_unroll_factor = 2 : i64, sc.parallel_access}
    %shift_right_arithmetic3A = arith.constant 8 : i32
    %shift_right_arithmetic3A_392 = arith.shrsi %mul3A_384, %shift_right_arithmetic3A : i32
    %and3A_393 = arith.constant 255 : i32
    %and3A_394 = arith.andi %mul3A_384, %and3A_393 : i32
    %dma_start3A_395 = arith.constant 0 : i32
    %dma_start3A_396 = arith.constant 0 : i32
    %dma_start3A_397 = arith.constant 0 : i32
    %dma_start3A_398 = tpu.memref_slice %arg5[%dma_start3A_395, %dma_start3A_396, %dma_start3A_397] : memref<2x8x2048xf32, #tpu.memory_space<vmem>> -> memref<1x8x2048xf32, #tpu.memory_space<vmem>>
    %dma_start3A_399 = tpu.memref_squeeze %dma_start3A_398 : memref<1x8x2048xf32, #tpu.memory_space<vmem>> -> memref<8x2048xf32, #tpu.memory_space<vmem>>
    %dma_start3A_400 = arith.constant 0 : i32
    %dma_start3A_401 = arith.constant 0 : i32
    %dma_start3A_402 = tpu.memref_slice %arg3[%shift_right_arithmetic3A_392, %and3A_394, %dma_start3A_400, %dma_start3A_401] : memref<16x256x8x2048xf32, #tpu.memory_space<hbm>> -> memref<1x1x8x2048xf32, #tpu.memory_space<hbm>>
    %dma_start3A_403 = tpu.memref_squeeze %dma_start3A_402 : memref<1x1x8x2048xf32, #tpu.memory_space<hbm>> -> memref<8x2048xf32, #tpu.memory_space<hbm>>
    %dma_start3A_404 = arith.constant 0 : i32
    %dma_start3A_405 = arith.constant 0 : i32
    %dma_start3A_406 = tpu.memref_slice %arg3[%shift_right_arithmetic3A_392, %and3A_394, %dma_start3A_404, %dma_start3A_405] : memref<16x256x8x2048xf32, #tpu.memory_space<hbm>> -> memref<1x1x8x2048xf32, #tpu.memory_space<hbm>>
    %dma_start3A_407 = tpu.memref_squeeze %dma_start3A_406 : memref<1x1x8x2048xf32, #tpu.memory_space<hbm>> -> memref<8x2048xf32, #tpu.memory_space<hbm>>
    %dma_start3A_408 = arith.constant 0 : i32
    %dma_start3A_409 = arith.constant 0 : i32
    %dma_start3A_410 = tpu.memref_slice %arg5[%dma_start3A_395, %dma_start3A_408, %dma_start3A_409] : memref<2x8x2048xf32, #tpu.memory_space<vmem>> -> memref<1x8x2048xf32, #tpu.memory_space<vmem>>
    %dma_start3A_411 = tpu.memref_squeeze %dma_start3A_410 : memref<1x8x2048xf32, #tpu.memory_space<vmem>> -> memref<8x2048xf32, #tpu.memory_space<vmem>>
    tpu.enqueue_dma source(%dma_start3A_411 : memref<8x2048xf32, #tpu.memory_space<vmem>>) target(%dma_start3A_407 : memref<8x2048xf32, #tpu.memory_space<hbm>>) target_semaphore(%arg7 : memref<!tpu.dma_semaphore, #tpu.memory_space<semaphore_mem>>)
    %scan3A = arith.constant 0 : i32
    %scan3A_412 = arith.constant 0 : i32
    %scan3A_413 = arith.constant 127 : i32
    %scan3A_414 = arith.addi %scan3A_412, %scan3A_413 : i32
    %scan3A_415 = arith.constant 1 : i32
    scf.for %scan3A_436 = %scan3A_412 to %scan3A_414 step %scan3A_415  : i32 {
      %add3A_437 = arith.addi %mul3A_384, %scan3A_436 : i32
      %add3A_438 = arith.constant 1 : i32
      %add3A_439 = arith.addi %add3A_437, %add3A_438 : i32
      %add3A_440 = arith.constant 1 : i32
      %add3A_441 = arith.addi %scan3A_436, %add3A_440 : i32
      %and3A_442 = arith.constant 1 : i32
      %and3A_443 = arith.andi %add3A_441, %and3A_442 : i32
      %shift_left3A_444 = arith.constant 3 : i32
      %shift_left3A_445 = arith.shli %add3A_439, %shift_left3A_444 : i32
      %and3A_446 = arith.constant 2047 : i32
      %and3A_447 = arith.andi %shift_left3A_445, %and3A_446 : i32
      %sub3A_448 = arith.constant 2047 : i32
      %sub3A_449 = arith.subi %sub3A_448, %and3A_447 : i32
      %sub3A_450 = arith.constant 7 : i32
      %sub3A_451 = arith.subi %sub3A_449, %sub3A_450 : i32
      %multiple_of3A_452 = tpu.assume_multiple %sub3A_451, 8 : i32
      %parallel_loop3A_453 = arith.constant 0 : i32
      %parallel_loop3A_454 = arith.constant 2048 : i32
      %parallel_loop3A_455 = arith.constant 32 : i32
      scf.for %parallel_loop3A_495 = %parallel_loop3A_453 to %parallel_loop3A_454 step %parallel_loop3A_455  : i32 {
        %parallel_loop3A_496 = arith.constant 28672 : i32
        %parallel_loop3A_497 = arith.addi %parallel_loop3A_496, %multiple_of3A_452 : i32
        %parallel_loop3A_498 = arith.addi %parallel_loop3A_497, %parallel_loop3A_495 : i32
        %parallel_loop3A_499 = arith.constant 0 : i32
        %parallel_loop3A_500 = arith.addi %parallel_loop3A_498, %parallel_loop3A_499 : i32
        %parallel_loop3A_501 = tpu.assume_multiple %parallel_loop3A_500, 8 : i32
        %parallel_loop3A_502 = arith.index_cast %parallel_loop3A_501 : i32 to index
        %parallel_loop3A_503 = tpu.vector_load %arg4[%parallel_loop3A_502] {strides = array<i32>} : memref<32768xf32, #tpu.memory_space<vmem>>, vector<16xf32>,
        %parallel_loop3A_504 = vector.shape_cast %parallel_loop3A_503 : vector<16xf32> to vector<16xf32>
        %parallel_loop3A_505 = arith.constant 28672 : i32
        %parallel_loop3A_506 = arith.addi %parallel_loop3A_505, %multiple_of3A_452 : i32
        %parallel_loop3A_507 = arith.addi %parallel_loop3A_506, %parallel_loop3A_495 : i32
        %parallel_loop3A_508 = arith.constant 16 : i32
        %parallel_loop3A_509 = arith.addi %parallel_loop3A_507, %parallel_loop3A_508 : i32
        %parallel_loop3A_510 = tpu.assume_multiple %parallel_loop3A_509, 8 : i32
        %parallel_loop3A_511 = arith.index_cast %parallel_loop3A_510 : i32 to index
        %parallel_loop3A_512 = tpu.vector_load %arg4[%parallel_loop3A_511] {strides = array<i32>} : memref<32768xf32, #tpu.memory_space<vmem>>, vector<16xf32>,
        %parallel_loop3A_513 = vector.shape_cast %parallel_loop3A_512 : vector<16xf32> to vector<16xf32>
        %parallel_loop3A_514 = arith.constant 24576 : i32
        %parallel_loop3A_515 = arith.addi %parallel_loop3A_514, %multiple_of3A_452 : i32
        %parallel_loop3A_516 = arith.addi %parallel_loop3A_515, %parallel_loop3A_495 : i32
        %parallel_loop3A_517 = arith.constant 0 : i32
        %parallel_loop3A_518 = arith.addi %parallel_loop3A_516, %parallel_loop3A_517 : i32
        %parallel_loop3A_519 = tpu.assume_multiple %parallel_loop3A_518, 8 : i32
        %parallel_loop3A_520 = arith.index_cast %parallel_loop3A_519 : i32 to index
        %parallel_loop3A_521 = tpu.vector_load %arg4[%parallel_loop3A_520] {strides = array<i32>} : memref<32768xf32, #tpu.memory_space<vmem>>, vector<16xf32>,
        %parallel_loop3A_522 = vector.shape_cast %parallel_loop3A_521 : vector<16xf32> to vector<16xf32>
        %parallel_loop3A_523 = arith.constant 24576 : i32
        %parallel_loop3A_524 = arith.addi %parallel_loop3A_523, %multiple_of3A_452 : i32
        %parallel_loop3A_525 = arith.addi %parallel_loop3A_524, %parallel_loop3A_495 : i32
        %parallel_loop3A_526 = arith.constant 16 : i32
        %parallel_loop3A_527 = arith.addi %parallel_loop3A_525, %parallel_loop3A_526 : i32
        %parallel_loop3A_528 = tpu.assume_multiple %parallel_loop3A_527, 8 : i32
        %parallel_loop3A_529 = arith.index_cast %parallel_loop3A_528 : i32 to index
        %parallel_loop3A_530 = tpu.vector_load %arg4[%parallel_loop3A_529] {strides = array<i32>} : memref<32768xf32, #tpu.memory_space<vmem>>, vector<16xf32>,
        %parallel_loop3A_531 = vector.shape_cast %parallel_loop3A_530 : vector<16xf32> to vector<16xf32>
        %parallel_loop3A_532 = arith.constant 20480 : i32
        %parallel_loop3A_533 = arith.addi %parallel_loop3A_532, %multiple_of3A_452 : i32
        %parallel_loop3A_534 = arith.addi %parallel_loop3A_533, %parallel_loop3A_495 : i32
        %parallel_loop3A_535 = arith.constant 0 : i32
        %parallel_loop3A_536 = arith.addi %parallel_loop3A_534, %parallel_loop3A_535 : i32
        %parallel_loop3A_537 = tpu.assume_multiple %parallel_loop3A_536, 8 : i32
        %parallel_loop3A_538 = arith.index_cast %parallel_loop3A_537 : i32 to index
        %parallel_loop3A_539 = tpu.vector_load %arg4[%parallel_loop3A_538] {strides = array<i32>} : memref<32768xf32, #tpu.memory_space<vmem>>, vector<16xf32>,
        %parallel_loop3A_540 = vector.shape_cast %parallel_loop3A_539 : vector<16xf32> to vector<16xf32>
        %parallel_loop3A_541 = arith.constant 20480 : i32
        %parallel_loop3A_542 = arith.addi %parallel_loop3A_541, %multiple_of3A_452 : i32
        %parallel_loop3A_543 = arith.addi %parallel_loop3A_542, %parallel_loop3A_495 : i32
        %parallel_loop3A_544 = arith.constant 16 : i32
        %parallel_loop3A_545 = arith.addi %parallel_loop3A_543, %parallel_loop3A_544 : i32
        %parallel_loop3A_546 = tpu.assume_multiple %parallel_loop3A_545, 8 : i32
        %parallel_loop3A_547 = arith.index_cast %parallel_loop3A_546 : i32 to index
        %parallel_loop3A_548 = tpu.vector_load %arg4[%parallel_loop3A_547] {strides = array<i32>} : memref<32768xf32, #tpu.memory_space<vmem>>, vector<16xf32>,
        %parallel_loop3A_549 = vector.shape_cast %parallel_loop3A_548 : vector<16xf32> to vector<16xf32>
        %parallel_loop3A_550 = arith.constant 16384 : i32
        %parallel_loop3A_551 = arith.addi %parallel_loop3A_550, %multiple_of3A_452 : i32
        %parallel_loop3A_552 = arith.addi %parallel_loop3A_551, %parallel_loop3A_495 : i32
        %parallel_loop3A_553 = arith.constant 0 : i32
        %parallel_loop3A_554 = arith.addi %parallel_loop3A_552, %parallel_loop3A_553 : i32
        %parallel_loop3A_555 = tpu.assume_multiple %parallel_loop3A_554, 8 : i32
        %parallel_loop3A_556 = arith.index_cast %parallel_loop3A_555 : i32 to index
        %parallel_loop3A_557 = tpu.vector_load %arg4[%parallel_loop3A_556] {strides = array<i32>} : memref<32768xf32, #tpu.memory_space<vmem>>, vector<16xf32>,
        %parallel_loop3A_558 = vector.shape_cast %parallel_loop3A_557 : vector<16xf32> to vector<16xf32>
        %parallel_loop3A_559 = arith.constant 16384 : i32
        %parallel_loop3A_560 = arith.addi %parallel_loop3A_559, %multiple_of3A_452 : i32
        %parallel_loop3A_561 = arith.addi %parallel_loop3A_560, %parallel_loop3A_495 : i32
        %parallel_loop3A_562 = arith.constant 16 : i32
        %parallel_loop3A_563 = arith.addi %parallel_loop3A_561, %parallel_loop3A_562 : i32
        %parallel_loop3A_564 = tpu.assume_multiple %parallel_loop3A_563, 8 : i32
        %parallel_loop3A_565 = arith.index_cast %parallel_loop3A_564 : i32 to index
        %parallel_loop3A_566 = tpu.vector_load %arg4[%parallel_loop3A_565] {strides = array<i32>} : memref<32768xf32, #tpu.memory_space<vmem>>, vector<16xf32>,
        %parallel_loop3A_567 = vector.shape_cast %parallel_loop3A_566 : vector<16xf32> to vector<16xf32>
        %parallel_loop3A_568 = arith.constant 12288 : i32
        %parallel_loop3A_569 = arith.addi %parallel_loop3A_568, %multiple_of3A_452 : i32
        %parallel_loop3A_570 = arith.addi %parallel_loop3A_569, %parallel_loop3A_495 : i32
        %parallel_loop3A_571 = arith.constant 0 : i32
        %parallel_loop3A_572 = arith.addi %parallel_loop3A_570, %parallel_loop3A_571 : i32
        %parallel_loop3A_573 = tpu.assume_multiple %parallel_loop3A_572, 8 : i32
        %parallel_loop3A_574 = arith.index_cast %parallel_loop3A_573 : i32 to index
        %parallel_loop3A_575 = tpu.vector_load %arg4[%parallel_loop3A_574] {strides = array<i32>} : memref<32768xf32, #tpu.memory_space<vmem>>, vector<16xf32>,
        %parallel_loop3A_576 = vector.shape_cast %parallel_loop3A_575 : vector<16xf32> to vector<16xf32>
        %parallel_loop3A_577 = arith.constant 12288 : i32
        %parallel_loop3A_578 = arith.addi %parallel_loop3A_577, %multiple_of3A_452 : i32
        %parallel_loop3A_579 = arith.addi %parallel_loop3A_578, %parallel_loop3A_495 : i32
        %parallel_loop3A_580 = arith.constant 16 : i32
        %parallel_loop3A_581 = arith.addi %parallel_loop3A_579, %parallel_loop3A_580 : i32
        %parallel_loop3A_582 = tpu.assume_multiple %parallel_loop3A_581, 8 : i32
        %parallel_loop3A_583 = arith.index_cast %parallel_loop3A_582 : i32 to index
        %parallel_loop3A_584 = tpu.vector_load %arg4[%parallel_loop3A_583] {strides = array<i32>} : memref<32768xf32, #tpu.memory_space<vmem>>, vector<16xf32>,
        %parallel_loop3A_585 = vector.shape_cast %parallel_loop3A_584 : vector<16xf32> to vector<16xf32>
        %parallel_loop3A_586 = arith.constant 8192 : i32
        %parallel_loop3A_587 = arith.addi %parallel_loop3A_586, %multiple_of3A_452 : i32
        %parallel_loop3A_588 = arith.addi %parallel_loop3A_587, %parallel_loop3A_495 : i32
        %parallel_loop3A_589 = arith.constant 0 : i32
        %parallel_loop3A_590 = arith.addi %parallel_loop3A_588, %parallel_loop3A_589 : i32
        %parallel_loop3A_591 = tpu.assume_multiple %parallel_loop3A_590, 8 : i32
        %parallel_loop3A_592 = arith.index_cast %parallel_loop3A_591 : i32 to index
        %parallel_loop3A_593 = tpu.vector_load %arg4[%parallel_loop3A_592] {strides = array<i32>} : memref<32768xf32, #tpu.memory_space<vmem>>, vector<16xf32>,
        %parallel_loop3A_594 = vector.shape_cast %parallel_loop3A_593 : vector<16xf32> to vector<16xf32>
        %parallel_loop3A_595 = arith.constant 8192 : i32
        %parallel_loop3A_596 = arith.addi %parallel_loop3A_595, %multiple_of3A_452 : i32
        %parallel_loop3A_597 = arith.addi %parallel_loop3A_596, %parallel_loop3A_495 : i32
        %parallel_loop3A_598 = arith.constant 16 : i32
        %parallel_loop3A_599 = arith.addi %parallel_loop3A_597, %parallel_loop3A_598 : i32
        %parallel_loop3A_600 = tpu.assume_multiple %parallel_loop3A_599, 8 : i32
        %parallel_loop3A_601 = arith.index_cast %parallel_loop3A_600 : i32 to index
        %parallel_loop3A_602 = tpu.vector_load %arg4[%parallel_loop3A_601] {strides = array<i32>} : memref<32768xf32, #tpu.memory_space<vmem>>, vector<16xf32>,
        %parallel_loop3A_603 = vector.shape_cast %parallel_loop3A_602 : vector<16xf32> to vector<16xf32>
        %parallel_loop3A_604 = arith.constant 4096 : i32
        %parallel_loop3A_605 = arith.addi %parallel_loop3A_604, %multiple_of3A_452 : i32
        %parallel_loop3A_606 = arith.addi %parallel_loop3A_605, %parallel_loop3A_495 : i32
        %parallel_loop3A_607 = arith.constant 0 : i32
        %parallel_loop3A_608 = arith.addi %parallel_loop3A_606, %parallel_loop3A_607 : i32
        %parallel_loop3A_609 = tpu.assume_multiple %parallel_loop3A_608, 8 : i32
        %parallel_loop3A_610 = arith.index_cast %parallel_loop3A_609 : i32 to index
        %parallel_loop3A_611 = tpu.vector_load %arg4[%parallel_loop3A_610] {strides = array<i32>} : memref<32768xf32, #tpu.memory_space<vmem>>, vector<16xf32>,
        %parallel_loop3A_612 = vector.shape_cast %parallel_loop3A_611 : vector<16xf32> to vector<16xf32>
        %parallel_loop3A_613 = arith.constant 4096 : i32
        %parallel_loop3A_614 = arith.addi %parallel_loop3A_613, %multiple_of3A_452 : i32
        %parallel_loop3A_615 = arith.addi %parallel_loop3A_614, %parallel_loop3A_495 : i32
        %parallel_loop3A_616 = arith.constant 16 : i32
        %parallel_loop3A_617 = arith.addi %parallel_loop3A_615, %parallel_loop3A_616 : i32
        %parallel_loop3A_618 = tpu.assume_multiple %parallel_loop3A_617, 8 : i32
        %parallel_loop3A_619 = arith.index_cast %parallel_loop3A_618 : i32 to index
        %parallel_loop3A_620 = tpu.vector_load %arg4[%parallel_loop3A_619] {strides = array<i32>} : memref<32768xf32, #tpu.memory_space<vmem>>, vector<16xf32>,
        %parallel_loop3A_621 = vector.shape_cast %parallel_loop3A_620 : vector<16xf32> to vector<16xf32>
        %parallel_loop3A_622 = arith.constant 0 : i32
        %parallel_loop3A_623 = arith.addi %parallel_loop3A_622, %multiple_of3A_452 : i32
        %parallel_loop3A_624 = arith.addi %parallel_loop3A_623, %parallel_loop3A_495 : i32
        %parallel_loop3A_625 = arith.constant 0 : i32
        %parallel_loop3A_626 = arith.addi %parallel_loop3A_624, %parallel_loop3A_625 : i32
        %parallel_loop3A_627 = tpu.assume_multiple %parallel_loop3A_626, 8 : i32
        %parallel_loop3A_628 = arith.index_cast %parallel_loop3A_627 : i32 to index
        %parallel_loop3A_629 = tpu.vector_load %arg4[%parallel_loop3A_628] {strides = array<i32>} : memref<32768xf32, #tpu.memory_space<vmem>>, vector<16xf32>,
        %parallel_loop3A_630 = vector.shape_cast %parallel_loop3A_629 : vector<16xf32> to vector<16xf32>
        %parallel_loop3A_631 = arith.constant 0 : i32
        %parallel_loop3A_632 = arith.addi %parallel_loop3A_631, %multiple_of3A_452 : i32
        %parallel_loop3A_633 = arith.addi %parallel_loop3A_632, %parallel_loop3A_495 : i32
        %parallel_loop3A_634 = arith.constant 16 : i32
        %parallel_loop3A_635 = arith.addi %parallel_loop3A_633, %parallel_loop3A_634 : i32
        %parallel_loop3A_636 = tpu.assume_multiple %parallel_loop3A_635, 8 : i32
        %parallel_loop3A_637 = arith.index_cast %parallel_loop3A_636 : i32 to index
        %parallel_loop3A_638 = tpu.vector_load %arg4[%parallel_loop3A_637] {strides = array<i32>} : memref<32768xf32, #tpu.memory_space<vmem>>, vector<16xf32>,
        %parallel_loop3A_639 = vector.shape_cast %parallel_loop3A_638 : vector<16xf32> to vector<16xf32>
        %parallel_loop3A_640 = arith.constant 0 : i32
        %parallel_loop3A_641 = arith.addi %parallel_loop3A_495, %parallel_loop3A_640 : i32
        %parallel_loop3A_642 = arith.constant 0 : i32
        %parallel_loop3A_643 = arith.index_cast %and3A_443 : i32 to index
        %parallel_loop3A_644 = arith.index_cast %parallel_loop3A_642 : i32 to index
        %parallel_loop3A_645 = arith.index_cast %parallel_loop3A_641 : i32 to index
        %parallel_loop3A_646 = tpu.vector_load %arg5[%parallel_loop3A_643, %parallel_loop3A_644, %parallel_loop3A_645] {strides = array<i32>} : memref<2x8x2048xf32, #tpu.memory_space<vmem>>, vector<1x1x16xf32>,
        %parallel_loop3A_647 = vector.shape_cast %parallel_loop3A_646 : vector<1x1x16xf32> to vector<16xf32>
        %parallel_loop3A_648 = vector.shape_cast %parallel_loop3A_504 : vector<16xf32> to vector<1x1x16xf32>
        tpu.vector_store %arg5[%parallel_loop3A_643, %parallel_loop3A_644, %parallel_loop3A_645], %parallel_loop3A_648 {strides = array<i32>} : memref<2x8x2048xf32, #tpu.memory_space<vmem>>, vector<1x1x16xf32>,
        %parallel_loop3A_649 = arith.constant 16 : i32
        %parallel_loop3A_650 = arith.addi %parallel_loop3A_495, %parallel_loop3A_649 : i32
        %parallel_loop3A_651 = arith.constant 0 : i32
        %parallel_loop3A_652 = arith.index_cast %and3A_443 : i32 to index
        %parallel_loop3A_653 = arith.index_cast %parallel_loop3A_651 : i32 to index
        %parallel_loop3A_654 = arith.index_cast %parallel_loop3A_650 : i32 to index
        %parallel_loop3A_655 = tpu.vector_load %arg5[%parallel_loop3A_652, %parallel_loop3A_653, %parallel_loop3A_654] {strides = array<i32>} : memref<2x8x2048xf32, #tpu.memory_space<vmem>>, vector<1x1x16xf32>,
        %parallel_loop3A_656 = vector.shape_cast %parallel_loop3A_655 : vector<1x1x16xf32> to vector<16xf32>
        %parallel_loop3A_657 = vector.shape_cast %parallel_loop3A_513 : vector<16xf32> to vector<1x1x16xf32>
        tpu.vector_store %arg5[%parallel_loop3A_652, %parallel_loop3A_653, %parallel_loop3A_654], %parallel_loop3A_657 {strides = array<i32>} : memref<2x8x2048xf32, #tpu.memory_space<vmem>>, vector<1x1x16xf32>,
        %parallel_loop3A_658 = arith.constant 0 : i32
        %parallel_loop3A_659 = arith.addi %parallel_loop3A_495, %parallel_loop3A_658 : i32
        %parallel_loop3A_660 = arith.constant 1 : i32
        %parallel_loop3A_661 = arith.index_cast %and3A_443 : i32 to index
        %parallel_loop3A_662 = arith.index_cast %parallel_loop3A_660 : i32 to index
        %parallel_loop3A_663 = arith.index_cast %parallel_loop3A_659 : i32 to index
        %parallel_loop3A_664 = tpu.vector_load %arg5[%parallel_loop3A_661, %parallel_loop3A_662, %parallel_loop3A_663] {strides = array<i32>} : memref<2x8x2048xf32, #tpu.memory_space<vmem>>, vector<1x1x16xf32>,
        %parallel_loop3A_665 = vector.shape_cast %parallel_loop3A_664 : vector<1x1x16xf32> to vector<16xf32>
        %parallel_loop3A_666 = vector.shape_cast %parallel_loop3A_522 : vector<16xf32> to vector<1x1x16xf32>
        tpu.vector_store %arg5[%parallel_loop3A_661, %parallel_loop3A_662, %parallel_loop3A_663], %parallel_loop3A_666 {strides = array<i32>} : memref<2x8x2048xf32, #tpu.memory_space<vmem>>, vector<1x1x16xf32>,
        %parallel_loop3A_667 = arith.constant 16 : i32
        %parallel_loop3A_668 = arith.addi %parallel_loop3A_495, %parallel_loop3A_667 : i32
        %parallel_loop3A_669 = arith.constant 1 : i32
        %parallel_loop3A_670 = arith.index_cast %and3A_443 : i32 to index
        %parallel_loop3A_671 = arith.index_cast %parallel_loop3A_669 : i32 to index
        %parallel_loop3A_672 = arith.index_cast %parallel_loop3A_668 : i32 to index
        %parallel_loop3A_673 = tpu.vector_load %arg5[%parallel_loop3A_670, %parallel_loop3A_671, %parallel_loop3A_672] {strides = array<i32>} : memref<2x8x2048xf32, #tpu.memory_space<vmem>>, vector<1x1x16xf32>,
        %parallel_loop3A_674 = vector.shape_cast %parallel_loop3A_673 : vector<1x1x16xf32> to vector<16xf32>
        %parallel_loop3A_675 = vector.shape_cast %parallel_loop3A_531 : vector<16xf32> to vector<1x1x16xf32>
        tpu.vector_store %arg5[%parallel_loop3A_670, %parallel_loop3A_671, %parallel_loop3A_672], %parallel_loop3A_675 {strides = array<i32>} : memref<2x8x2048xf32, #tpu.memory_space<vmem>>, vector<1x1x16xf32>,
        %parallel_loop3A_676 = arith.constant 0 : i32
        %parallel_loop3A_677 = arith.addi %parallel_loop3A_495, %parallel_loop3A_676 : i32
        %parallel_loop3A_678 = arith.constant 2 : i32
        %parallel_loop3A_679 = arith.index_cast %and3A_443 : i32 to index
        %parallel_loop3A_680 = arith.index_cast %parallel_loop3A_678 : i32 to index
        %parallel_loop3A_681 = arith.index_cast %parallel_loop3A_677 : i32 to index
        %parallel_loop3A_682 = tpu.vector_load %arg5[%parallel_loop3A_679, %parallel_loop3A_680, %parallel_loop3A_681] {strides = array<i32>} : memref<2x8x2048xf32, #tpu.memory_space<vmem>>, vector<1x1x16xf32>,
        %parallel_loop3A_683 = vector.shape_cast %parallel_loop3A_682 : vector<1x1x16xf32> to vector<16xf32>
        %parallel_loop3A_684 = vector.shape_cast %parallel_loop3A_540 : vector<16xf32> to vector<1x1x16xf32>
        tpu.vector_store %arg5[%parallel_loop3A_679, %parallel_loop3A_680, %parallel_loop3A_681], %parallel_loop3A_684 {strides = array<i32>} : memref<2x8x2048xf32, #tpu.memory_space<vmem>>, vector<1x1x16xf32>,
        %parallel_loop3A_685 = arith.constant 16 : i32
        %parallel_loop3A_686 = arith.addi %parallel_loop3A_495, %parallel_loop3A_685 : i32
        %parallel_loop3A_687 = arith.constant 2 : i32
        %parallel_loop3A_688 = arith.index_cast %and3A_443 : i32 to index
        %parallel_loop3A_689 = arith.index_cast %parallel_loop3A_687 : i32 to index
        %parallel_loop3A_690 = arith.index_cast %parallel_loop3A_686 : i32 to index
        %parallel_loop3A_691 = tpu.vector_load %arg5[%parallel_loop3A_688, %parallel_loop3A_689, %parallel_loop3A_690] {strides = array<i32>} : memref<2x8x2048xf32, #tpu.memory_space<vmem>>, vector<1x1x16xf32>,
        %parallel_loop3A_692 = vector.shape_cast %parallel_loop3A_691 : vector<1x1x16xf32> to vector<16xf32>
        %parallel_loop3A_693 = vector.shape_cast %parallel_loop3A_549 : vector<16xf32> to vector<1x1x16xf32>
        tpu.vector_store %arg5[%parallel_loop3A_688, %parallel_loop3A_689, %parallel_loop3A_690], %parallel_loop3A_693 {strides = array<i32>} : memref<2x8x2048xf32, #tpu.memory_space<vmem>>, vector<1x1x16xf32>,
        %parallel_loop3A_694 = arith.constant 0 : i32
        %parallel_loop3A_695 = arith.addi %parallel_loop3A_495, %parallel_loop3A_694 : i32
        %parallel_loop3A_696 = arith.constant 3 : i32
        %parallel_loop3A_697 = arith.index_cast %and3A_443 : i32 to index
        %parallel_loop3A_698 = arith.index_cast %parallel_loop3A_696 : i32 to index
        %parallel_loop3A_699 = arith.index_cast %parallel_loop3A_695 : i32 to index
        %parallel_loop3A_700 = tpu.vector_load %arg5[%parallel_loop3A_697, %parallel_loop3A_698, %parallel_loop3A_699] {strides = array<i32>} : memref<2x8x2048xf32, #tpu.memory_space<vmem>>, vector<1x1x16xf32>,
        %parallel_loop3A_701 = vector.shape_cast %parallel_loop3A_700 : vector<1x1x16xf32> to vector<16xf32>
        %parallel_loop3A_702 = vector.shape_cast %parallel_loop3A_558 : vector<16xf32> to vector<1x1x16xf32>
        tpu.vector_store %arg5[%parallel_loop3A_697, %parallel_loop3A_698, %parallel_loop3A_699], %parallel_loop3A_702 {strides = array<i32>} : memref<2x8x2048xf32, #tpu.memory_space<vmem>>, vector<1x1x16xf32>,
        %parallel_loop3A_703 = arith.constant 16 : i32
        %parallel_loop3A_704 = arith.addi %parallel_loop3A_495, %parallel_loop3A_703 : i32
        %parallel_loop3A_705 = arith.constant 3 : i32
        %parallel_loop3A_706 = arith.index_cast %and3A_443 : i32 to index
        %parallel_loop3A_707 = arith.index_cast %parallel_loop3A_705 : i32 to index
        %parallel_loop3A_708 = arith.index_cast %parallel_loop3A_704 : i32 to index
        %parallel_loop3A_709 = tpu.vector_load %arg5[%parallel_loop3A_706, %parallel_loop3A_707, %parallel_loop3A_708] {strides = array<i32>} : memref<2x8x2048xf32, #tpu.memory_space<vmem>>, vector<1x1x16xf32>,
        %parallel_loop3A_710 = vector.shape_cast %parallel_loop3A_709 : vector<1x1x16xf32> to vector<16xf32>
        %parallel_loop3A_711 = vector.shape_cast %parallel_loop3A_567 : vector<16xf32> to vector<1x1x16xf32>
        tpu.vector_store %arg5[%parallel_loop3A_706, %parallel_loop3A_707, %parallel_loop3A_708], %parallel_loop3A_711 {strides = array<i32>} : memref<2x8x2048xf32, #tpu.memory_space<vmem>>, vector<1x1x16xf32>,
        %parallel_loop3A_712 = arith.constant 0 : i32
        %parallel_loop3A_713 = arith.addi %parallel_loop3A_495, %parallel_loop3A_712 : i32
        %parallel_loop3A_714 = arith.constant 4 : i32
        %parallel_loop3A_715 = arith.index_cast %and3A_443 : i32 to index
        %parallel_loop3A_716 = arith.index_cast %parallel_loop3A_714 : i32 to index
        %parallel_loop3A_717 = arith.index_cast %parallel_loop3A_713 : i32 to index
        %parallel_loop3A_718 = tpu.vector_load %arg5[%parallel_loop3A_715, %parallel_loop3A_716, %parallel_loop3A_717] {strides = array<i32>} : memref<2x8x2048xf32, #tpu.memory_space<vmem>>, vector<1x1x16xf32>,
        %parallel_loop3A_719 = vector.shape_cast %parallel_loop3A_718 : vector<1x1x16xf32> to vector<16xf32>
        %parallel_loop3A_720 = vector.shape_cast %parallel_loop3A_576 : vector<16xf32> to vector<1x1x16xf32>
        tpu.vector_store %arg5[%parallel_loop3A_715, %parallel_loop3A_716, %parallel_loop3A_717], %parallel_loop3A_720 {strides = array<i32>} : memref<2x8x2048xf32, #tpu.memory_space<vmem>>, vector<1x1x16xf32>,
        %parallel_loop3A_721 = arith.constant 16 : i32
        %parallel_loop3A_722 = arith.addi %parallel_loop3A_495, %parallel_loop3A_721 : i32
        %parallel_loop3A_723 = arith.constant 4 : i32
        %parallel_loop3A_724 = arith.index_cast %and3A_443 : i32 to index
        %parallel_loop3A_725 = arith.index_cast %parallel_loop3A_723 : i32 to index
        %parallel_loop3A_726 = arith.index_cast %parallel_loop3A_722 : i32 to index
        %parallel_loop3A_727 = tpu.vector_load %arg5[%parallel_loop3A_724, %parallel_loop3A_725, %parallel_loop3A_726] {strides = array<i32>} : memref<2x8x2048xf32, #tpu.memory_space<vmem>>, vector<1x1x16xf32>,
        %parallel_loop3A_728 = vector.shape_cast %parallel_loop3A_727 : vector<1x1x16xf32> to vector<16xf32>
        %parallel_loop3A_729 = vector.shape_cast %parallel_loop3A_585 : vector<16xf32> to vector<1x1x16xf32>
        tpu.vector_store %arg5[%parallel_loop3A_724, %parallel_loop3A_725, %parallel_loop3A_726], %parallel_loop3A_729 {strides = array<i32>} : memref<2x8x2048xf32, #tpu.memory_space<vmem>>, vector<1x1x16xf32>,
        %parallel_loop3A_730 = arith.constant 0 : i32
        %parallel_loop3A_731 = arith.addi %parallel_loop3A_495, %parallel_loop3A_730 : i32
        %parallel_loop3A_732 = arith.constant 5 : i32
        %parallel_loop3A_733 = arith.index_cast %and3A_443 : i32 to index
        %parallel_loop3A_734 = arith.index_cast %parallel_loop3A_732 : i32 to index
        %parallel_loop3A_735 = arith.index_cast %parallel_loop3A_731 : i32 to index
        %parallel_loop3A_736 = tpu.vector_load %arg5[%parallel_loop3A_733, %parallel_loop3A_734, %parallel_loop3A_735] {strides = array<i32>} : memref<2x8x2048xf32, #tpu.memory_space<vmem>>, vector<1x1x16xf32>,
        %parallel_loop3A_737 = vector.shape_cast %parallel_loop3A_736 : vector<1x1x16xf32> to vector<16xf32>
        %parallel_loop3A_738 = vector.shape_cast %parallel_loop3A_594 : vector<16xf32> to vector<1x1x16xf32>
        tpu.vector_store %arg5[%parallel_loop3A_733, %parallel_loop3A_734, %parallel_loop3A_735], %parallel_loop3A_738 {strides = array<i32>} : memref<2x8x2048xf32, #tpu.memory_space<vmem>>, vector<1x1x16xf32>,
        %parallel_loop3A_739 = arith.constant 16 : i32
        %parallel_loop3A_740 = arith.addi %parallel_loop3A_495, %parallel_loop3A_739 : i32
        %parallel_loop3A_741 = arith.constant 5 : i32
        %parallel_loop3A_742 = arith.index_cast %and3A_443 : i32 to index
        %parallel_loop3A_743 = arith.index_cast %parallel_loop3A_741 : i32 to index
        %parallel_loop3A_744 = arith.index_cast %parallel_loop3A_740 : i32 to index
        %parallel_loop3A_745 = tpu.vector_load %arg5[%parallel_loop3A_742, %parallel_loop3A_743, %parallel_loop3A_744] {strides = array<i32>} : memref<2x8x2048xf32, #tpu.memory_space<vmem>>, vector<1x1x16xf32>,
        %parallel_loop3A_746 = vector.shape_cast %parallel_loop3A_745 : vector<1x1x16xf32> to vector<16xf32>
        %parallel_loop3A_747 = vector.shape_cast %parallel_loop3A_603 : vector<16xf32> to vector<1x1x16xf32>
        tpu.vector_store %arg5[%parallel_loop3A_742, %parallel_loop3A_743, %parallel_loop3A_744], %parallel_loop3A_747 {strides = array<i32>} : memref<2x8x2048xf32, #tpu.memory_space<vmem>>, vector<1x1x16xf32>,
        %parallel_loop3A_748 = arith.constant 0 : i32
        %parallel_loop3A_749 = arith.addi %parallel_loop3A_495, %parallel_loop3A_748 : i32
        %parallel_loop3A_750 = arith.constant 6 : i32
        %parallel_loop3A_751 = arith.index_cast %and3A_443 : i32 to index
        %parallel_loop3A_752 = arith.index_cast %parallel_loop3A_750 : i32 to index
        %parallel_loop3A_753 = arith.index_cast %parallel_loop3A_749 : i32 to index
        %parallel_loop3A_754 = tpu.vector_load %arg5[%parallel_loop3A_751, %parallel_loop3A_752, %parallel_loop3A_753] {strides = array<i32>} : memref<2x8x2048xf32, #tpu.memory_space<vmem>>, vector<1x1x16xf32>,
        %parallel_loop3A_755 = vector.shape_cast %parallel_loop3A_754 : vector<1x1x16xf32> to vector<16xf32>
        %parallel_loop3A_756 = vector.shape_cast %parallel_loop3A_612 : vector<16xf32> to vector<1x1x16xf32>
        tpu.vector_store %arg5[%parallel_loop3A_751, %parallel_loop3A_752, %parallel_loop3A_753], %parallel_loop3A_756 {strides = array<i32>} : memref<2x8x2048xf32, #tpu.memory_space<vmem>>, vector<1x1x16xf32>,
        %parallel_loop3A_757 = arith.constant 16 : i32
        %parallel_loop3A_758 = arith.addi %parallel_loop3A_495, %parallel_loop3A_757 : i32
        %parallel_loop3A_759 = arith.constant 6 : i32
        %parallel_loop3A_760 = arith.index_cast %and3A_443 : i32 to index
        %parallel_loop3A_761 = arith.index_cast %parallel_loop3A_759 : i32 to index
        %parallel_loop3A_762 = arith.index_cast %parallel_loop3A_758 : i32 to index
        %parallel_loop3A_763 = tpu.vector_load %arg5[%parallel_loop3A_760, %parallel_loop3A_761, %parallel_loop3A_762] {strides = array<i32>} : memref<2x8x2048xf32, #tpu.memory_space<vmem>>, vector<1x1x16xf32>,
        %parallel_loop3A_764 = vector.shape_cast %parallel_loop3A_763 : vector<1x1x16xf32> to vector<16xf32>
        %parallel_loop3A_765 = vector.shape_cast %parallel_loop3A_621 : vector<16xf32> to vector<1x1x16xf32>
        tpu.vector_store %arg5[%parallel_loop3A_760, %parallel_loop3A_761, %parallel_loop3A_762], %parallel_loop3A_765 {strides = array<i32>} : memref<2x8x2048xf32, #tpu.memory_space<vmem>>, vector<1x1x16xf32>,
        %parallel_loop3A_766 = arith.constant 0 : i32
        %parallel_loop3A_767 = arith.addi %parallel_loop3A_495, %parallel_loop3A_766 : i32
        %parallel_loop3A_768 = arith.constant 7 : i32
        %parallel_loop3A_769 = arith.index_cast %and3A_443 : i32 to index
        %parallel_loop3A_770 = arith.index_cast %parallel_loop3A_768 : i32 to index
        %parallel_loop3A_771 = arith.index_cast %parallel_loop3A_767 : i32 to index
        %parallel_loop3A_772 = tpu.vector_load %arg5[%parallel_loop3A_769, %parallel_loop3A_770, %parallel_loop3A_771] {strides = array<i32>} : memref<2x8x2048xf32, #tpu.memory_space<vmem>>, vector<1x1x16xf32>,
        %parallel_loop3A_773 = vector.shape_cast %parallel_loop3A_772 : vector<1x1x16xf32> to vector<16xf32>
        %parallel_loop3A_774 = vector.shape_cast %parallel_loop3A_630 : vector<16xf32> to vector<1x1x16xf32>
        tpu.vector_store %arg5[%parallel_loop3A_769, %parallel_loop3A_770, %parallel_loop3A_771], %parallel_loop3A_774 {strides = array<i32>} : memref<2x8x2048xf32, #tpu.memory_space<vmem>>, vector<1x1x16xf32>,
        %parallel_loop3A_775 = arith.constant 16 : i32
        %parallel_loop3A_776 = arith.addi %parallel_loop3A_495, %parallel_loop3A_775 : i32
        %parallel_loop3A_777 = arith.constant 7 : i32
        %parallel_loop3A_778 = arith.index_cast %and3A_443 : i32 to index
        %parallel_loop3A_779 = arith.index_cast %parallel_loop3A_777 : i32 to index
        %parallel_loop3A_780 = arith.index_cast %parallel_loop3A_776 : i32 to index
        %parallel_loop3A_781 = tpu.vector_load %arg5[%parallel_loop3A_778, %parallel_loop3A_779, %parallel_loop3A_780] {strides = array<i32>} : memref<2x8x2048xf32, #tpu.memory_space<vmem>>, vector<1x1x16xf32>,
        %parallel_loop3A_782 = vector.shape_cast %parallel_loop3A_781 : vector<1x1x16xf32> to vector<16xf32>
        %parallel_loop3A_783 = vector.shape_cast %parallel_loop3A_639 : vector<16xf32> to vector<1x1x16xf32>
        tpu.vector_store %arg5[%parallel_loop3A_778, %parallel_loop3A_779, %parallel_loop3A_780], %parallel_loop3A_783 {strides = array<i32>} : memref<2x8x2048xf32, #tpu.memory_space<vmem>>, vector<1x1x16xf32>,
      } {sc.loop_unroll_factor = 2 : i64, sc.parallel_access}
      %shift_right_arithmetic3A_456 = arith.constant 8 : i32
      %shift_right_arithmetic3A_457 = arith.shrsi %add3A_439, %shift_right_arithmetic3A_456 : i32
      %and3A_458 = arith.constant 255 : i32
      %and3A_459 = arith.andi %add3A_439, %and3A_458 : i32
      %dma_start3A_460 = arith.constant 0 : i32
      %dma_start3A_461 = arith.constant 0 : i32
      %dma_start3A_462 = tpu.memref_slice %arg5[%and3A_443, %dma_start3A_460, %dma_start3A_461] : memref<2x8x2048xf32, #tpu.memory_space<vmem>> -> memref<1x8x2048xf32, #tpu.memory_space<vmem>>
      %dma_start3A_463 = tpu.memref_squeeze %dma_start3A_462 : memref<1x8x2048xf32, #tpu.memory_space<vmem>> -> memref<8x2048xf32, #tpu.memory_space<vmem>>
      %dma_start3A_464 = arith.constant 0 : i32
      %dma_start3A_465 = arith.constant 0 : i32
      %dma_start3A_466 = tpu.memref_slice %arg3[%shift_right_arithmetic3A_457, %and3A_459, %dma_start3A_464, %dma_start3A_465] : memref<16x256x8x2048xf32, #tpu.memory_space<hbm>> -> memref<1x1x8x2048xf32, #tpu.memory_space<hbm>>
      %dma_start3A_467 = tpu.memref_squeeze %dma_start3A_466 : memref<1x1x8x2048xf32, #tpu.memory_space<hbm>> -> memref<8x2048xf32, #tpu.memory_space<hbm>>
      %dma_start3A_468 = arith.constant 0 : i32
      %dma_start3A_469 = arith.constant 0 : i32
      %dma_start3A_470 = tpu.memref_slice %arg3[%shift_right_arithmetic3A_457, %and3A_459, %dma_start3A_468, %dma_start3A_469] : memref<16x256x8x2048xf32, #tpu.memory_space<hbm>> -> memref<1x1x8x2048xf32, #tpu.memory_space<hbm>>
      %dma_start3A_471 = tpu.memref_squeeze %dma_start3A_470 : memref<1x1x8x2048xf32, #tpu.memory_space<hbm>> -> memref<8x2048xf32, #tpu.memory_space<hbm>>
      %dma_start3A_472 = arith.constant 0 : i32
      %dma_start3A_473 = arith.constant 0 : i32
      %dma_start3A_474 = tpu.memref_slice %arg5[%and3A_443, %dma_start3A_472, %dma_start3A_473] : memref<2x8x2048xf32, #tpu.memory_space<vmem>> -> memref<1x8x2048xf32, #tpu.memory_space<vmem>>
      %dma_start3A_475 = tpu.memref_squeeze %dma_start3A_474 : memref<1x8x2048xf32, #tpu.memory_space<vmem>> -> memref<8x2048xf32, #tpu.memory_space<vmem>>
      tpu.enqueue_dma source(%dma_start3A_475 : memref<8x2048xf32, #tpu.memory_space<vmem>>) target(%dma_start3A_471 : memref<8x2048xf32, #tpu.memory_space<hbm>>) target_semaphore(%arg7 : memref<!tpu.dma_semaphore, #tpu.memory_space<semaphore_mem>>)
      %dma_wait3A_476 = arith.constant 0 : i32
      %dma_wait3A_477 = arith.constant 0 : i32
      %dma_wait3A_478 = arith.constant 0 : i32
      %dma_wait3A_479 = arith.constant 0 : i32
      %dma_wait3A_480 = arith.constant 0 : i32
      %dma_wait3A_481 = tpu.memref_slice %arg5[%dma_wait3A_476, %dma_wait3A_479, %dma_wait3A_480] : memref<2x8x2048xf32, #tpu.memory_space<vmem>> -> memref<1x8x2048xf32, #tpu.memory_space<vmem>>
      %dma_wait3A_482 = tpu.memref_squeeze %dma_wait3A_481 : memref<1x8x2048xf32, #tpu.memory_space<vmem>> -> memref<8x2048xf32, #tpu.memory_space<vmem>>
      %dma_wait3A_483 = arith.constant 0 : i32
      %dma_wait3A_484 = arith.constant 0 : i32
      %dma_wait3A_485 = tpu.memref_slice %arg3[%dma_wait3A_477, %dma_wait3A_478, %dma_wait3A_483, %dma_wait3A_484] : memref<16x256x8x2048xf32, #tpu.memory_space<hbm>> -> memref<1x1x8x2048xf32, #tpu.memory_space<hbm>>
      %dma_wait3A_486 = tpu.memref_squeeze %dma_wait3A_485 : memref<1x1x8x2048xf32, #tpu.memory_space<hbm>> -> memref<8x2048xf32, #tpu.memory_space<hbm>>
      %dma_wait3A_487 = arith.constant 0 : i32
      %dma_wait3A_488 = arith.constant 0 : i32
      %dma_wait3A_489 = tpu.memref_slice %arg3[%dma_wait3A_477, %dma_wait3A_478, %dma_wait3A_487, %dma_wait3A_488] : memref<16x256x8x2048xf32, #tpu.memory_space<hbm>> -> memref<1x1x8x2048xf32, #tpu.memory_space<hbm>>
      %dma_wait3A_490 = tpu.memref_squeeze %dma_wait3A_489 : memref<1x1x8x2048xf32, #tpu.memory_space<hbm>> -> memref<8x2048xf32, #tpu.memory_space<hbm>>
      %dma_wait3A_491 = arith.constant 0 : i32
      %dma_wait3A_492 = arith.constant 0 : i32
      %dma_wait3A_493 = tpu.memref_slice %arg5[%dma_wait3A_476, %dma_wait3A_491, %dma_wait3A_492] : memref<2x8x2048xf32, #tpu.memory_space<vmem>> -> memref<1x8x2048xf32, #tpu.memory_space<vmem>>
      %dma_wait3A_494 = tpu.memref_squeeze %dma_wait3A_493 : memref<1x8x2048xf32, #tpu.memory_space<vmem>> -> memref<8x2048xf32, #tpu.memory_space<vmem>>
      tpu.wait_dma2 semaphore(%arg7 : memref<!tpu.dma_semaphore, #tpu.memory_space<semaphore_mem>>) src(%dma_wait3A_494 : memref<8x2048xf32, #tpu.memory_space<vmem>>) dst(%dma_wait3A_490 : memref<8x2048xf32, #tpu.memory_space<hbm>>)
    }
    %scan3A_416 = arith.constant 127 : i32
    %dma_wait3A_417 = arith.constant 0 : i32
    %dma_wait3A_418 = arith.constant 0 : i32
    %dma_wait3A_419 = arith.constant 0 : i32
    %dma_wait3A_420 = arith.constant 0 : i32
    %dma_wait3A_421 = arith.constant 0 : i32
    %dma_wait3A_422 = tpu.memref_slice %arg5[%dma_wait3A_417, %dma_wait3A_420, %dma_wait3A_421] : memref<2x8x2048xf32, #tpu.memory_space<vmem>> -> memref<1x8x2048xf32, #tpu.memory_space<vmem>>
    %dma_wait3A_423 = tpu.memref_squeeze %dma_wait3A_422 : memref<1x8x2048xf32, #tpu.memory_space<vmem>> -> memref<8x2048xf32, #tpu.memory_space<vmem>>
    %dma_wait3A_424 = arith.constant 0 : i32
    %dma_wait3A_425 = arith.constant 0 : i32
    %dma_wait3A_426 = tpu.memref_slice %arg3[%dma_wait3A_418, %dma_wait3A_419, %dma_wait3A_424, %dma_wait3A_425] : memref<16x256x8x2048xf32, #tpu.memory_space<hbm>> -> memref<1x1x8x2048xf32, #tpu.memory_space<hbm>>
    %dma_wait3A_427 = tpu.memref_squeeze %dma_wait3A_426 : memref<1x1x8x2048xf32, #tpu.memory_space<hbm>> -> memref<8x2048xf32, #tpu.memory_space<hbm>>
    %dma_wait3A_428 = arith.constant 0 : i32
    %dma_wait3A_429 = arith.constant 0 : i32
    %dma_wait3A_430 = tpu.memref_slice %arg3[%dma_wait3A_418, %dma_wait3A_419, %dma_wait3A_428, %dma_wait3A_429] : memref<16x256x8x2048xf32, #tpu.memory_space<hbm>> -> memref<1x1x8x2048xf32, #tpu.memory_space<hbm>>
    %dma_wait3A_431 = tpu.memref_squeeze %dma_wait3A_430 : memref<1x1x8x2048xf32, #tpu.memory_space<hbm>> -> memref<8x2048xf32, #tpu.memory_space<hbm>>
    %dma_wait3A_432 = arith.constant 0 : i32
    %dma_wait3A_433 = arith.constant 0 : i32
    %dma_wait3A_434 = tpu.memref_slice %arg5[%dma_wait3A_417, %dma_wait3A_432, %dma_wait3A_433] : memref<2x8x2048xf32, #tpu.memory_space<vmem>> -> memref<1x8x2048xf32, #tpu.memory_space<vmem>>
    %dma_wait3A_435 = tpu.memref_squeeze %dma_wait3A_434 : memref<1x8x2048xf32, #tpu.memory_space<vmem>> -> memref<8x2048xf32, #tpu.memory_space<vmem>>
    tpu.wait_dma2 semaphore(%arg7 : memref<!tpu.dma_semaphore, #tpu.memory_space<semaphore_mem>>) src(%dma_wait3A_435 : memref<8x2048xf32, #tpu.memory_space<vmem>>) dst(%dma_wait3A_431 : memref<8x2048xf32, #tpu.memory_space<hbm>>)
    return
  }
}

</mosaic_0001>

<sc_bundles>
// kernel: kernel.3.cloned.1.call-start
scs
__scs_entry_jumppad:
0x0: {  	(pc) =	sbr.rel $0x88, $3  }
0x1: {  	(tag) =	ssettag $0x0;
	lr =	simm.s32 $0x1  }
0x2: {  	[smem:$0x3FA0] =	sst lr;
	_ =	strace $0xD0000000  }
0x3: {  	_ = 	snop  }
0x4: {  	_ = 	snop  }
0x5: {  	_ = 	snop  }
0x6: {  	_ = 	snop  }
0x7: {  	_ = 	snop  }
__scs_overlays_trampoline_lowered:
0x8: {  	[smem:$0x3FAF] =	sst s0  }
0x9: {  	[smem:$0x3FB0] =	sst s1  }
0xa: {  	[smem:$0x3FB1] =	sst s2  }
0xb: {  	[smem:$0x3FB2] =	sst s3  }
0xc: {  	[smem:$0x3FB3] =	sst s4  }
0xd: {  	[smem:$0x3FB4] =	sst s5  }
0xe: {  	[smem:$0x3FB5] =	sst s6  }
0xf: {  	[smem:$0x3FB6] =	sst s7  }
0x10: {  	[smem:$0x3FB7] =	sst s8  }
0x11: {  	[smem:$0x3FB8] =	sst s9;
	s0 =	simm.s32 @!p0 $0x0  }
0x12: {  	s1 =	sld [smem:$0x3F9E];
	s0 =	simm.s32 @p0 $0x1  }
0x13: {  	[smem:$0x3FB9] =	sst s0;
	s0 =	simm.s32 @!p1 $0x0  }
0x14: {  	s2 =	sld [smem:$0x3F9D];
	s0 =	simm.s32 @p1 $0x1  }
0x15: {  	[smem:$0x3FBA] =	sst s0;
	s0 =	simm.s32 @!p2 $0x0  }
0x16: {  	s3 =	sld [smem:$0x3FDB];
	s0 =	simm.s32 @p2 $0x1  }
0x17: {  	s4 =	simm.s32 $0x1BF5;
	[smem:$0x3FBC] =	sst s0  }
0x18: {  	s0 =	sld [smem:$0x3F9F];
	_ =	swait.ge [sflag:s4], $0x0  }
0x19: {  	s7 =	sld [smem:$0x3FA0]  }
0x1a: {  	s8 =	sadd.s32 $0xFFFFE003, lr  }
0x1b: {  	s9 =	sadd.s32 $0xFFFFFEF7, lr;
	s5 =	simm.s32 $0xFFFFFFFF;
	p2 =	slt.u32 s8, $0xFFFFF086  }
0x1c: {  	p1 =	slt.u32 s9, $0xF7A;
	s5 =	simm.s32 @!p2 $0x0  }
0x1d: {  	s5 =	simm.s32 @p1 $0x1;
	p0 =	seq.s32 s7, s2  }
0x1e: {  	s7 =	smul.u32 @!p0 $0xF7A, s2;
	p2 =	seq.s32 @!p0 s5, $0x0  }
0x1f: {  	s9 =	smul.u32 $0xF7A, s1;
	s8 =	simm.s32 @!p0 $0x1BF5;
	p2 =	por !p2, p0  }
0x20: {  	[sflag:s8] =	ssyncset.s32 @!p0 $0xFFFFF086;
	s6 =	sadd.s32 @!p0 s3, s7;
	s7 =	simm.s32 @!p0 $0x108  }
0x21: {  	s3 =	sadd.s32 s3, s9;
	s6 =	sadd.s32 @!p0 $0x88, s6;
	s7 =	simm.s32 @p2 $0x1082  }
0x22: {  	[simem:s7], [sflag:s8] =	dma.local @!p0 [hbm:s6], $0xF7A  }
0x23: {  	s9 =	sor.u32 $0xD0000000, s2;
	s6 =	simm.s32 $0x108;
	_ =	swait.ge @!p0 [sflag:s8], $0x0  }
0x24: {  	s3 =	sadd.s32 $0x88, s3;
	s6 =	simm.s32 @!p1 $0x1082;
	[sflag:s4] =	ssyncset.s32 $0xFFFFF086  }
0x25: {  	[simem:s6], [sflag:s4] =	dma.local [hbm:s3], $0xF7A  }
0x26: {  	[smem:$0x3FA0] =	sst s1;
	(tag) =	ssettag s2;
	_ =	strace s9  }
0x27: {  	s1 =	sld [smem:$0x3FB0]  }
0x28: {  	s2 =	sld [smem:$0x3FB1]  }
0x29: {  	s4 =	sld [smem:$0x3FB3]  }
0x2a: {  	p0 =	seq.s32 s5, $0x0;
	s5 =	sld [smem:$0x3FB4]  }
0x2b: {  	s6 =	sld [smem:$0x3FB5]  }
0x2c: {  	s7 =	sld [smem:$0x3FB6]  }
0x2d: {  	s3 =	simm.s32 $0x108;
	s8 =	sld [smem:$0x3FB7]  }
0x2e: {  	s3 =	simm.s32 @!p0 $0x1082;
	s9 =	sld [smem:$0x3FB8]  }
0x2f: {  	lr =	sadd.s32 s0, s3;
	s0 =	sld [smem:$0x3FAF]  }
0x30: {  	s3 =	sld [smem:$0x3FB2]  }
0x31: {  	[smem:$0x3FBB] =	sst s10  }
0x32: {  	s10 =	sld [smem:$0x3FB9];
	_ =	sdelay $0x3  }
0x33: {  	p0 =	seq.s32 s10, $0x1;
	s10 =	sld [smem:$0x3FBB];
	_ =	sdelay $0x3  }
0x34: {  	[smem:$0x3FBB] =	sst s10  }
0x35: {  	s10 =	sld [smem:$0x3FBA];
	_ =	sdelay $0x3  }
0x36: {  	p1 =	seq.s32 s10, $0x1;
	s10 =	sld [smem:$0x3FBB];
	_ =	sdelay $0x3  }
0x37: {  	[smem:$0x3FBB] =	sst s10  }
0x38: {  	s10 =	sld [smem:$0x3FBC]  }
0x39: {  	_ = 	snop;
	(pc) =	sbr.ind lr, $3  }
0x3a: {  	_ = 	snop  }
0x3b: {  	_ = 	snop  }
0x3c: {  	p2 =	seq.s32 s10, $0x1;
	s10 =	sld [smem:$0x3FBB]  }
0x3d: {  	_ =	shalt  }
0x3e: {  	_ =	shalt  }
0x3f: {  	_ =	shalt  }
0x40: {  	_ =	shalt  }
0x41: {  	_ =	shalt  }
0x42: {  	_ =	shalt  }
0x43: {  	_ =	shalt  }
0x44: {  	_ =	shalt  }
0x45: {  	_ =	shalt  }
0x46: {  	_ =	shalt  }
0x47: {  	_ =	shalt  }
0x48: {  	_ =	shalt  }
0x49: {  	_ =	shalt  }
0x4a: {  	_ =	shalt  }
0x4b: {  	_ =	shalt  }
0x4c: {  	_ =	shalt  }
0x4d: {  	_ =	shalt  }
0x4e: {  	_ =	shalt  }
0x4f: {  	_ =	shalt  }
0x50: {  	_ =	shalt  }
0x51: {  	_ =	shalt  }
0x52: {  	_ =	shalt  }
0x53: {  	_ =	shalt  }
0x54: {  	_ =	shalt  }
0x55: {  	_ =	shalt  }
0x56: {  	_ =	shalt  }
0x57: {  	_ =	shalt  }
0x58: {  	_ =	shalt  }
0x59: {  	_ =	shalt  }
0x5a: {  	_ =	shalt  }
0x5b: {  	_ =	shalt  }
0x5c: {  	_ =	shalt  }
0x5d: {  	_ =	shalt  }
0x5e: {  	_ =	shalt  }
0x5f: {  	_ =	shalt  }
0x60: {  	_ =	shalt  }
0x61: {  	_ =	shalt  }
0x62: {  	_ =	shalt  }
0x63: {  	_ =	shalt  }
0x64: {  	_ =	shalt  }
0x65: {  	_ =	shalt  }
0x66: {  	_ =	shalt  }
0x67: {  	_ =	shalt  }
0x68: {  	_ =	shalt  }
0x69: {  	_ =	shalt  }
0x6a: {  	_ =	shalt  }
0x6b: {  	_ =	shalt  }
0x6c: {  	_ =	shalt  }
0x6d: {  	_ =	shalt  }
0x6e: {  	_ =	shalt  }
0x6f: {  	_ =	shalt  }
0x70: {  	_ =	shalt  }
0x71: {  	_ =	shalt  }
0x72: {  	_ =	shalt  }
0x73: {  	_ =	shalt  }
0x74: {  	_ =	shalt  }
0x75: {  	_ =	shalt  }
0x76: {  	_ =	shalt  }
0x77: {  	_ =	shalt  }
0x78: {  	_ =	shalt  }
0x79: {  	_ =	shalt  }
0x7a: {  	_ =	shalt  }
0x7b: {  	_ =	shalt  }
0x7c: {  	_ =	shalt  }
0x7d: {  	_ =	shalt  }
0x7e: {  	_ =	shalt  }
0x7f: {  	_ =	shalt  }
0x80: {  	_ =	shalt  }
0x81: {  	_ =	shalt  }
0x82: {  	_ =	shalt  }
0x83: {  	_ =	shalt  }
0x84: {  	_ =	shalt  }
0x85: {  	_ =	shalt  }
0x86: {  	_ =	shalt  }
0x87: {  	_ =	shalt  }
.Lfunc_end0:
.L_simem_size_0:
called_computation_lowered:
.L_overlay_start_0:
0x88: {  	s2 =	sld [smem:$0x3FD9]  }
0x89: {  	s3 =	sld [smem:$0x3FFE];
	_ =	sdelay $0x1  }
0x8a: {  	s1 =	srdreg.scid  }
0x8b: {  	s0 =	sand.u32 $0x1, s1  }
0x8c: {  	s17 =	sshll.u32 s0, $0xA;
	s2 =	sadd.s32 s3, s2  }
0x8d: {  	s2 =	sadd.s32 s2, s17  }
0x8e: {  	[smem:$0x3FC7] =	sst s2  }
0x8f: {  	_ = 	snop  }
0x90: {  	s2 =	sld [smem:$0x3FD0];
	(tm) =	ssettm $0x1  }
0x91: {  	s18 =	sld [smem:$0x3FFB];
	_ =	sdelay $0x3  }
0x92: {  	_ =	strace s18  }
0x93: {  	s3 =	sld [smem:$0x3FFC];
	_ =	sdelay $0x3  }
0x94: {  	_ =	strace s3  }
0x95: {  	s3 =	sld [smem:$0x3FFD];
	_ =	sdelay $0x3  }
0x96: {  	_ =	strace s3  }
0x97: {  	_ =	strace $0x8FFFFFFF  }
0x98: {  	s19 =	sld [smem:$0x3FDB];
	_ =	sdelay $0x1  }
0x99: {  	s4 =	simm.s32 $_scs_section_size  }
0x9a: {  	s5 =	simm.s32 $_size__tile_overlayer_lowered;
	s6 =	simm.s32 $_tile_overlayer_lowered  }
0x9b: {  	s22 =	simm.s32 $0x1BFF;
	s21 =	sshll.u32 s6, $0x1;
	s3 =	sadd.s32 s4, s19  }
0x9c: {  	s7 =	simm.s32 $0x0;
	s20 =	sshll.u32 s5, $0x1;
	s5 =	sadd.s32 s21, s3  }
0x9d: {  	[timem:s7], [sflag:s22] =	dma.local [hbm:s5], s20  }
0x9e: {  	_ =	swait.ge [sflag:s22], s20  }
0x9f: {  	s4 =	ssub.s32 $0x0, s20;
	[sflag:s22] =	ssyncset.done $0x0  }
0xa0: {  	[sflag:s22] =	ssyncadd.s32 s4;
	_ =	sdelay $0x1  }
0xa1: {  	s23 =	simm.s32 $0x1B8B  }
0xa2: {  	_ =	swait.ge [sflag:s23], $0x1  }
0xa3: {  	[sflag:s23] =	ssyncset.done $0x0  }
0xa4: {  	s25 =	simm.s32 $0x1B8E;
	s24 =	sld [smem:$0x3FFE];
	[sflag:s23] =	ssyncadd.s32 $0xFFFFFFFF  }
0xa5: {  	s26 =	simm.s32 $execute0_lowered;
	[smem:$0x3FD2] =	sst s25  }
0xa6: {  	s5 =	sshll.u32 s26, $0x1;
	_ =	strace $0x80000046;
	[dreg:$0x1] =	wrdreg $0xFFFFFFFF  }
0xa7: {  	s28 =	simm.s32 $_size_execute0_lowered;
	s3 =	sadd.s32 s3, s5;
	[dreg:$0x0] =	wrdreg $0x0  }
0xa8: {  	s5 =	sshll.u32 s28, $0x1;
	[dreg:$0x2] =	wrdreg s3  }
0xa9: {  	[dreg:$0x3] =	wrdreg s5  }
0xaa: {  	[dreg:$0x4] =	wrdreg $0xC0  }
0xab: {  	_ =	task [dreg:s7], $0x5FFFF  }
0xac: {  	[dreg:$0x1] =	wrdreg $0xFFFFFFFF  }
0xad: {  	[dreg:$0x0] =	wrdreg $0x60  }
0xae: {  	[dreg:$0x2] =	wrdreg s24  }
0xaf: {  	[dreg:$0x3] =	wrdreg s2  }
0xb0: {  	[dreg:$0x4] =	wrdreg $0x9  }
0xb1: {  	_ =	task.clear_ibuf [dreg:s7], $0x5FFFF;
	_ =	strace $0x90000046  }
0xb2: {  	s29 =	simm.s32 $0x9;
	_ =	strace $0x80000048  }
0xb3: {  	_ =	swait.ge [sflag:s29], $0x1  }
0xb4: {  	[sflag:s29] =	ssyncadd.s32 $0xFFFFFFFF  }
0xb5: {  	_ =	strace $0x90000048  }
0xb6: {  	_ =	sfence  }
0xb7: {  	s30 =	sld [smem:$0x0];
	_ =	sdelay $0x2  }
0xb8: {  	s31 =	sshll.u32 s1, $0xD;
	s1 =	sshrl.u32 s1, $0x2  }
0xb9: {  	s3 =	sand.u32 $0x4000, s31;
	s1 =	sadd.s32 s1, s30  }
0xba: {  	s0 =	sor.u32 s3, s0;
	s1 =	sshll.u32 s1, $0x11  }
0xbb: {  	s0 =	sor.u32 s1, s0  }
0xbc: {  	s0 =	sadd.s32 $0x8F2B, s0  }
0xbd: {  	[sflag:s0] =	ssyncadd.remote.s32 $0x1  }
0xbe: {  	_ =	sfence.sel $0xFFFF  }
0xbf: {  	[dreg:$0x0] =	wrdreg $0xFFFFFFFF;
	(pc) =	sbr.abs _section_cstart, $3  }
0xc0: {  	[dreg:$0x1] =	wrdreg $0xFFFFFFFF  }
0xc1: {  	_ =	task.clear_ibuf [dreg:s7], $0x2FFFF;
	_ =	strace $0x9FFFFFFF  }
0xc2: {  	(tm) =	ssettm $0x7FFFFFFF  }
0xc3: {  	_ =	shalt  }
tec
execute0_lowered:
.L_overlay_start_1:
0x0: {  	(tag) =	ssettag $0x1  }
0x1: {  	s0 =	rddreg [dreg:$0x0]  }
0x2: {  	s1 =	rddreg [dreg:$0x1];
	s3 =	srdreg.scid;
	s2 =	simm.s32 $0x0  }
0x3: {  	s8 =	stileid.u32;
	s29 =	simm.s32 $0x1;
	s31 =	simm.s32 $0x2  }
0x4: {  	s3 =	sand.u32 $0x1, s3;
	[smem:$0x7FF] =	sst s2;
	s5 =	sadd.s32 $0x200, s0  }
0x5: {  	s6 =	sadd.s32 $0x470, s0;
	s7 =	sadd.s32 $0x230, s0;
	s22 =	sadd.s32 $0x260, s0  }
0x6: {  	s23 =	sadd.s32 $0x290, s0;
	_ =	strace $0x80000047;
	[dreg:$0x3] =	wrdreg s5  }
0x7: {  	s24 =	sadd.s32 $0x2C0, s0;
	s25 =	sadd.s32 $0x2F0, s0;
	[dreg:$0x4] =	wrdreg s7  }
0x8: {  	s12 =	sadd.s32 $0x320, s0;
	s13 =	sadd.s32 $0x350, s0;
	[dreg:$0x5] =	wrdreg s22  }
0x9: {  	s26 =	sshll.u32 s8, $0x8;
	s8 =	sshll.u32 s8, $0x13;
	[dreg:$0x6] =	wrdreg s23  }
0xa: {  	s4 =	ssub.s32 $0x2, s3;
	s5 =	sadd.s32 $0x380, s0;
	[dreg:$0x7] =	wrdreg s24  }
0xb: {  	[dreg:$0x8] =	wrdreg s25;
	s28 =	sshll.u32 s3, $0x7;
	s14 =	sshll.u32 s3, $0x12  }
0xc: {  	s3 =	sshll.u32 s3, $0xC;
	s21 =	sshrl.u32 s4, $0x1;
	s14 =	sadd.s32 s1, s14  }
0xd: {  	s0 =	sor.u32 s26, s28;
	s30 =	ssub.s32 $0x1E0A0, s3;
	s19 =	ssub.s32 $0x0, s3  }
0xe: {  	s4 =	ssub.s32 s4, s21;
	s14 =	sadd.s32 s8, s14;
	s15 =	sor.u32 $0x1, s0  }
0xf: {  	s17 =	sshrl.u32 s30, $0x2;
	s0 =	simm.s32 $0x0;
	s16 =	smax.u32 s4, $0x1  }
.LBB2_1:
0x10: {  	[tilespmem:s2], [sflag:$0x1] =	stream.linear.gather [hbm4b:s5+s2], $0x770, $0x38;
	[tilespmem:$0x10000] =	vst v63  }
0x11: {  	s3 =	rddreg [dreg:$0x3];
	s4 =	simm.s32 $0x770  }
0x12: {  	[tilespmem:s4], [sflag:$0x1] =	stream.linear.gather [hbm4b:s3+s2], $0x120, $0x38;
	[tilespmem:$0x10000] =	vst v63  }
0x13: {  	s25 =	simm.s32 $0x890  }
0x14: {  	[tilespmem:s25], [sflag:$0x1] =	stream.linear.gather [hbm4b:s6+s2], $0x770, $0x38;
	[tilespmem:$0x10000] =	vst v63  }
0x15: {  	s26 =	simm.s32 $0x1000  }
0x16: {  	[tilespmem:s26], [sflag:$0x1] =	stream.linear.gather [hbm4b:s5+s2], $0x770, $0x38;
	[tilespmem:$0x10000] =	vst v63  }
0x17: {  	s7 =	simm.s32 $0x1770;
	s4 =	rddreg [dreg:$0x4]  }
0x18: {  	[tilespmem:s7], [sflag:$0x1] =	stream.linear.gather [hbm4b:s4+s2], $0x120, $0x38;
	[tilespmem:$0x10000] =	vst v63  }
0x19: {  	s8 =	simm.s32 $0x1890  }
0x1a: {  	[tilespmem:s8], [sflag:$0x1] =	stream.linear.gather [hbm4b:s6+s2], $0x770, $0x38;
	[tilespmem:$0x10000] =	vst v63  }
0x1b: {  	s9 =	simm.s32 $0x2000  }
0x1c: {  	[tilespmem:s9], [sflag:$0x1] =	stream.linear.gather [hbm4b:s5+s2], $0x770, $0x38;
	[tilespmem:$0x10000] =	vst v63  }
0x1d: {  	s10 =	rddreg [dreg:$0x5];
	s11 =	simm.s32 $0x2770  }
0x1e: {  	[tilespmem:s11], [sflag:$0x1] =	stream.linear.gather [hbm4b:s10+s2], $0x120, $0x38;
	[tilespmem:$0x10000] =	vst v63  }
0x1f: {  	s18 =	simm.s32 $0x2890  }
0x20: {  	[tilespmem:s18], [sflag:$0x1] =	stream.linear.gather [hbm4b:s6+s2], $0x770, $0x38;
	[tilespmem:$0x10000] =	vst v63  }
0x21: {  	s20 =	simm.s32 $0x3000  }
0x22: {  	[tilespmem:s20], [sflag:$0x1] =	stream.linear.gather [hbm4b:s5+s2], $0x770, $0x38;
	[tilespmem:$0x10000] =	vst v63  }
0x23: {  	s21 =	rddreg [dreg:$0x6];
	s22 =	simm.s32 $0x3770  }
0x24: {  	[tilespmem:s22], [sflag:$0x1] =	stream.linear.gather [hbm4b:s21+s2], $0x120, $0x38;
	[tilespmem:$0x10000] =	vst v63  }
0x25: {  	s23 =	simm.s32 $0x3890  }
0x26: {  	[tilespmem:s23], [sflag:$0x1] =	stream.linear.gather [hbm4b:s6+s2], $0x770, $0x38;
	[tilespmem:$0x10000] =	vst v63  }
0x27: {  	s24 =	simm.s32 $0x4000  }
0x28: {  	[tilespmem:s24], [sflag:$0x1] =	stream.linear.gather [hbm4b:s5+s2], $0x770, $0x38;
	[tilespmem:$0x10000] =	vst v63  }
0x29: {  	s25 =	rddreg [dreg:$0x7];
	s26 =	simm.s32 $0x4770  }
0x2a: {  	[tilespmem:s26], [sflag:$0x1] =	stream.linear.gather [hbm4b:s25+s2], $0x120, $0x38;
	[tilespmem:$0x10000] =	vst v63  }
0x2b: {  	s4 =	simm.s32 $0x4890  }
0x2c: {  	[tilespmem:s4], [sflag:$0x1] =	stream.linear.gather [hbm4b:s6+s2], $0x770, $0x38;
	[tilespmem:$0x10000] =	vst v63  }
0x2d: {  	s7 =	simm.s32 $0x5000  }
0x2e: {  	[tilespmem:s7], [sflag:$0x1] =	stream.linear.gather [hbm4b:s5+s2], $0x770, $0x38;
	[tilespmem:$0x10000] =	vst v63  }
0x2f: {  	s8 =	rddreg [dreg:$0x8];
	s9 =	simm.s32 $0x5770  }
0x30: {  	[tilespmem:s9], [sflag:$0x1] =	stream.linear.gather [hbm4b:s8+s2], $0x120, $0x38;
	[tilespmem:$0x10000] =	vst v63  }
0x31: {  	s10 =	simm.s32 $0x5890  }
0x32: {  	[tilespmem:s10], [sflag:$0x1] =	stream.linear.gather [hbm4b:s6+s2], $0x770, $0x38;
	[tilespmem:$0x10000] =	vst v63  }
0x33: {  	s11 =	simm.s32 $0x6000  }
0x34: {  	[tilespmem:s11], [sflag:$0x1] =	stream.linear.gather [hbm4b:s5+s2], $0x770, $0x38;
	[tilespmem:$0x10000] =	vst v63  }
0x35: {  	s18 =	simm.s32 $0x6770  }
0x36: {  	[tilespmem:s18], [sflag:$0x1] =	stream.linear.gather [hbm4b:s12+s2], $0x120, $0x38;
	[tilespmem:$0x10000] =	vst v63  }
0x37: {  	s20 =	simm.s32 $0x6890  }
0x38: {  	[tilespmem:s20], [sflag:$0x1] =	stream.linear.gather [hbm4b:s6+s2], $0x770, $0x38;
	[tilespmem:$0x10000] =	vst v63  }
0x39: {  	s21 =	simm.s32 $0x7000  }
0x3a: {  	[tilespmem:s21], [sflag:$0x1] =	stream.linear.gather [hbm4b:s5+s2], $0x770, $0x38;
	[tilespmem:$0x10000] =	vst v63  }
0x3b: {  	s22 =	simm.s32 $0x7770  }
0x3c: {  	[tilespmem:s22], [sflag:$0x1] =	stream.linear.gather [hbm4b:s13+s2], $0x120, $0x38;
	[tilespmem:$0x10000] =	vst v63  }
0x3d: {  	s23 =	simm.s32 $0x7890  }
0x3e: {  	[tilespmem:s23], [sflag:$0x1] =	stream.linear.gather [hbm4b:s6+s2], $0x770, $0x38;
	[tilespmem:$0x10000] =	vst v63  }
0x3f: {  	_ =	swait.ge [sflag:s29], $0x770  }
0x40: {  	[sflag:s29] =	ssyncset.done $0x0  }
0x41: {  	[sflag:s29] =	ssyncadd.s32 $0xFFFFF890  }
0x42: {  	_ =	swait.ge [sflag:s29], $0x120  }
0x43: {  	[sflag:s29] =	ssyncset.done $0x0  }
0x44: {  	[sflag:s29] =	ssyncadd.s32 $0xFFFFFEE0  }
0x45: {  	_ =	swait.ge [sflag:s29], $0x770  }
0x46: {  	[sflag:s29] =	ssyncset.done $0x0  }
0x47: {  	[sflag:s29] =	ssyncadd.s32 $0xFFFFF890  }
0x48: {  	_ =	swait.ge [sflag:s29], $0x770  }
0x49: {  	[sflag:s29] =	ssyncset.done $0x0  }
0x4a: {  	[sflag:s29] =	ssyncadd.s32 $0xFFFFF890  }
0x4b: {  	_ =	swait.ge [sflag:s29], $0x120  }
0x4c: {  	[sflag:s29] =	ssyncset.done $0x0  }
0x4d: {  	[sflag:s29] =	ssyncadd.s32 $0xFFFFFEE0  }
0x4e: {  	_ =	swait.ge [sflag:s29], $0x770  }
0x4f: {  	[sflag:s29] =	ssyncset.done $0x0  }
0x50: {  	[sflag:s29] =	ssyncadd.s32 $0xFFFFF890  }
0x51: {  	_ =	swait.ge [sflag:s29], $0x770  }
0x52: {  	[sflag:s29] =	ssyncset.done $0x0  }
0x53: {  	[sflag:s29] =	ssyncadd.s32 $0xFFFFF890  }
0x54: {  	_ =	swait.ge [sflag:s29], $0x120  }
0x55: {  	[sflag:s29] =	ssyncset.done $0x0  }
0x56: {  	[sflag:s29] =	ssyncadd.s32 $0xFFFFFEE0  }
0x57: {  	_ =	swait.ge [sflag:s29], $0x770  }
0x58: {  	[sflag:s29] =	ssyncset.done $0x0  }
0x59: {  	[sflag:s29] =	ssyncadd.s32 $0xFFFFF890  }
0x5a: {  	_ =	swait.ge [sflag:s29], $0x770  }
0x5b: {  	[sflag:s29] =	ssyncset.done $0x0  }
0x5c: {  	[sflag:s29] =	ssyncadd.s32 $0xFFFFF890  }
0x5d: {  	_ =	swait.ge [sflag:s29], $0x120  }
0x5e: {  	[sflag:s29] =	ssyncset.done $0x0  }
0x5f: {  	[sflag:s29] =	ssyncadd.s32 $0xFFFFFEE0  }
0x60: {  	_ =	swait.ge [sflag:s29], $0x770  }
0x61: {  	[sflag:s29] =	ssyncset.done $0x0  }
0x62: {  	[sflag:s29] =	ssyncadd.s32 $0xFFFFF890  }
0x63: {  	_ =	swait.ge [sflag:s29], $0x770  }
0x64: {  	[sflag:s29] =	ssyncset.done $0x0  }
0x65: {  	[sflag:s29] =	ssyncadd.s32 $0xFFFFF890  }
0x66: {  	_ =	swait.ge [sflag:s29], $0x120  }
0x67: {  	[sflag:s29] =	ssyncset.done $0x0  }
0x68: {  	[sflag:s29] =	ssyncadd.s32 $0xFFFFFEE0  }
0x69: {  	_ =	swait.ge [sflag:s29], $0x770  }
0x6a: {  	[sflag:s29] =	ssyncset.done $0x0  }
0x6b: {  	[sflag:s29] =	ssyncadd.s32 $0xFFFFF890  }
0x6c: {  	_ =	swait.ge [sflag:s29], $0x770  }
0x6d: {  	[sflag:s29] =	ssyncset.done $0x0  }
0x6e: {  	[sflag:s29] =	ssyncadd.s32 $0xFFFFF890  }
0x6f: {  	_ =	swait.ge [sflag:s29], $0x120  }
0x70: {  	[sflag:s29] =	ssyncset.done $0x0  }
0x71: {  	[sflag:s29] =	ssyncadd.s32 $0xFFFFFEE0  }
0x72: {  	_ =	swait.ge [sflag:s29], $0x770  }
0x73: {  	[sflag:s29] =	ssyncset.done $0x0  }
0x74: {  	[sflag:s29] =	ssyncadd.s32 $0xFFFFF890  }
0x75: {  	_ =	swait.ge [sflag:s29], $0x770  }
0x76: {  	[sflag:s29] =	ssyncset.done $0x0  }
0x77: {  	[sflag:s29] =	ssyncadd.s32 $0xFFFFF890  }
0x78: {  	_ =	swait.ge [sflag:s29], $0x120  }
0x79: {  	[sflag:s29] =	ssyncset.done $0x0  }
0x7a: {  	[sflag:s29] =	ssyncadd.s32 $0xFFFFFEE0  }
0x7b: {  	_ =	swait.ge [sflag:s29], $0x770  }
0x7c: {  	[sflag:s29] =	ssyncset.done $0x0  }
0x7d: {  	[sflag:s29] =	ssyncadd.s32 $0xFFFFF890  }
0x7e: {  	_ =	swait.ge [sflag:s29], $0x770  }
0x7f: {  	[sflag:s29] =	ssyncset.done $0x0  }
0x80: {  	[sflag:s29] =	ssyncadd.s32 $0xFFFFF890  }
0x81: {  	_ =	swait.ge [sflag:s29], $0x120  }
0x82: {  	[sflag:s29] =	ssyncset.done $0x0  }
0x83: {  	[sflag:s29] =	ssyncadd.s32 $0xFFFFFEE0  }
0x84: {  	_ =	swait.ge [sflag:s29], $0x770  }
0x85: {  	[sflag:s29] =	ssyncset.done $0x0  }
0x86: {  	[sflag:s29] =	ssyncadd.s32 $0xFFFFF890  }
0x87: {  	v0 =	vld [tilespmem:s17+$0xFFFFFFF0]  }
0x88: {  	v1 =	vld [tilespmem:s17+$0x0]  }
0x89: {  	v2 =	vld [tilespmem:s17+$0xFFFFEFF0]  }
0x8a: {  	v3 =	vld [tilespmem:s17+$0xFFFFF000]  }
0x8b: {  	v4 =	vld [tilespmem:s17+$0xFFFFDFF0]  }
0x8c: {  	v5 =	vld [tilespmem:s17+$0xFFFFE000]  }
0x8d: {  	v6 =	vld [tilespmem:s17+$0xFFFFCFF0]  }
0x8e: {  	v7 =	vld [tilespmem:s17+$0xFFFFD000]  }
0x8f: {  	v8 =	vld [tilespmem:s17+$0xFFFFBFF0]  }
0x90: {  	v9 =	vld [tilespmem:s17+$0xFFFFC000]  }
0x91: {  	v10 =	vld [tilespmem:s17+$0xFFFFAFF0]  }
0x92: {  	v11 =	vld [tilespmem:s17+$0xFFFFB000]  }
0x93: {  	v12 =	vld [tilespmem:s17+$0xFFFF9FF0]  }
0x94: {  	s24 =	sand.u32 $0x3C00, s2;
	s7 =	simm.s32 $0x20;
	v13 =	vld [tilespmem:s17+$0xFFFFA000]  }
0x95: {  	s3 =	simm.s32 $0x0;
	s4 =	sor.u32 $0x8000, s24;
	s7 =	sand.u32 $0x60, s7;
	v14 =	vld [tilespmem:s17+$0xFFFF8FF0]  }
0x96: {  	s8 =	sand.u32 $0x40, s3;
	s7 =	sor.u32 s7, s4;
	v15 =	vld [tilespmem:s17+$0xFFFF9000]  }
0x97: {  	s18 =	sor.u32 s8, s4;
	v16 =	vld [tilespmem:s17+$0xFFFFFFD0];
	[tilespmem:s7+$0x0] =	vst v0  }
0x98: {  	v0 =	vld [tilespmem:s17+$0xFFFFFFE0];
	[tilespmem:s18+$0x30] =	vst v1  }
0x99: {  	v1 =	vld [tilespmem:s17+$0xFFFFEFD0];
	[tilespmem:s7+$0x80] =	vst v2  }
0x9a: {  	p0 =	por $0x0, $0x0;
	s4 =	simm.s32 $0x1;
	v2 =	vld [tilespmem:s17+$0xFFFFEFE0];
	[tilespmem:s18+$0xB0] =	vst v3  }
0x9b: {  	s25 =	sand.u32 $0x3, s2;
	s4 =	simm.s32 @!p0 $0x0;
	v3 =	vld [tilespmem:s17+$0xFFFFDFD0];
	[tilespmem:s7+$0x100] =	vst v4  }
0x9c: {  	s8 =	sshll.u32 s25, $0x5;
	s4 =	sshll.u32 s4, $0x6;
	v4 =	vld [tilespmem:s17+$0xFFFFDFE0];
	[tilespmem:s18+$0x130] =	vst v5  }
0x9d: {  	s21 =	sadd.s32 $0x0, s4;
	s4 =	sadd.s32 $0x20, s8;
	v5 =	vld [tilespmem:s17+$0xFFFFCFD0];
	[tilespmem:s7+$0x180] =	vst v6  }
0x9e: {  	s26 =	sor.u32 $0x200, s4;
	s22 =	sadd.s32 $0x30, s21;
	v6 =	vld [tilespmem:s17+$0xFFFFCFE0];
	[tilespmem:s18+$0x1B0] =	vst v7  }
0x9f: {  	s8 =	sor.u32 $0x200, s22;
	v7 =	vld [tilespmem:s17+$0xFFFFBFD0];
	[tilespmem:s26+$0x8000] =	vst v8  }
0xa0: {  	s9 =	sor.u32 $0x280, s4;
	v8 =	vld [tilespmem:s17+$0xFFFFBFE0];
	[tilespmem:s8+$0x8000] =	vst v9  }
0xa1: {  	s10 =	sor.u32 $0x280, s22;
	v9 =	vld [tilespmem:s17+$0xFFFFAFD0];
	[tilespmem:s9+$0x8000] =	vst v10  }
0xa2: {  	s20 =	simm.s32 $0x20;
	s23 =	sor.u32 $0x300, s4;
	v10 =	vld [tilespmem:s17+$0xFFFFAFE0];
	[tilespmem:s10+$0x8000] =	vst v11  }
0xa3: {  	s11 =	sadd.s32 $0x10, s21;
	s30 =	sor.u32 $0x380, s21;
	s24 =	sor.u32 $0x300, s22;
	v11 =	vld [tilespmem:s17+$0xFFFF9FD0];
	[tilespmem:s23+$0x8000] =	vst v12  }
0xa4: {  	s28 =	sor.u32 $0x200, s11;
	s25 =	sor.u32 $0x300, s11;
	s4 =	sor.u32 $0x380, s4;
	v12 =	vld [tilespmem:s17+$0xFFFF9FE0];
	[tilespmem:s24+$0x8000] =	vst v13  }
0xa5: {  	s22 =	sor.u32 $0x380, s22;
	s7 =	sor.u32 $0x280, s21;
	s26 =	sor.u32 $0x280, s11;
	v13 =	vld [tilespmem:s17+$0xFFFF8FD0];
	[tilespmem:s4+$0x8000] =	vst v14  }
0xa6: {  	s8 =	sor.u32 $0x200, s21;
	s23 =	simm.s32 $0x0;
	s24 =	sor.u32 $0x380, s11;
	v14 =	vld [tilespmem:s17+$0xFFFF8FE0];
	[tilespmem:s18+$0x0] =	vst v16  }
0xa7: {  	s4 =	sor.u32 $0x300, s21;
	s21 =	sadd.s32 $0x40, s17;
	[tilespmem:s22+$0x8000] =	vst v15;
	s22 =	simm.s32 $0x0  }
.LBB2_2:
0xa8: {  	v15 =	vld [tilespmem:s21+$0xFFFFFFF0];
	[tilespmem:s18+$0x10] =	vst v0  }
0xa9: {  	v0 =	vld [tilespmem:s21+$0x0];
	[tilespmem:s18+$0x80] =	vst v1  }
0xaa: {  	v1 =	vld [tilespmem:s21+$0xFFFFEFF0];
	[tilespmem:s18+$0x90] =	vst v2  }
0xab: {  	v2 =	vld [tilespmem:s21+$0xFFFFF000];
	[tilespmem:s18+$0x100] =	vst v3  }
0xac: {  	v3 =	vld [tilespmem:s21+$0xFFFFDFF0];
	[tilespmem:s18+$0x110] =	vst v4  }
0xad: {  	v4 =	vld [tilespmem:s21+$0xFFFFE000];
	[tilespmem:s18+$0x180] =	vst v5  }
0xae: {  	v5 =	vld [tilespmem:s21+$0xFFFFCFF0];
	[tilespmem:s18+$0x190] =	vst v6  }
0xaf: {  	v6 =	vld [tilespmem:s21+$0xFFFFD000];
	[tilespmem:s8+$0x8000] =	vst v7  }
0xb0: {  	v7 =	vld [tilespmem:s21+$0xFFFFBFF0];
	[tilespmem:s28+$0x8000] =	vst v8  }
0xb1: {  	v8 =	vld [tilespmem:s21+$0xFFFFC000];
	[tilespmem:s7+$0x8000] =	vst v9  }
0xb2: {  	v9 =	vld [tilespmem:s21+$0xFFFFAFF0];
	[tilespmem:s26+$0x8000] =	vst v10  }
0xb3: {  	s22 =	sadd.s32 $0x200, s22;
	v10 =	vld [tilespmem:s21+$0xFFFFB000];
	[tilespmem:s4+$0x8000] =	vst v11  }
0xb4: {  	s7 =	sadd.s32 $0x60, s3;
	s4 =	sand.u32 $0x3C00, s22;
	v11 =	vld [tilespmem:s21+$0xFFFF9FF0];
	[tilespmem:s25+$0x8000] =	vst v12  }
0xb5: {  	s3 =	sadd.s32 $0x40, s3;
	s7 =	sand.u32 $0x60, s7;
	s4 =	sor.u32 $0x8000, s4;
	v12 =	vld [tilespmem:s21+$0xFFFFA000];
	[tilespmem:s30+$0x8000] =	vst v13  }
0xb6: {  	s8 =	sand.u32 $0x40, s3;
	p1 =	slt.u32 s3, $0x7C0;
	s7 =	sor.u32 s7, s4;
	v13 =	vld [tilespmem:s21+$0xFFFF8FF0];
	[tilespmem:s24+$0x8000] =	vst v14  }
0xb7: {  	s18 =	sor.u32 s8, s4;
	v14 =	vld [tilespmem:s21+$0xFFFF9000];
	[tilespmem:s7+$0x0] =	vst v15  }
0xb8: {  	v15 =	vld [tilespmem:s21+$0xFFFFFFD0];
	[tilespmem:s18+$0x30] =	vst v0  }
0xb9: {  	v0 =	vld [tilespmem:s21+$0xFFFFFFE0];
	[tilespmem:s7+$0x80] =	vst v1  }
0xba: {  	p0 =	por !p0, !p0;
	s23 =	sadd.s32 $0x2, s23;
	s4 =	simm.s32 $0x1;
	v1 =	vld [tilespmem:s21+$0xFFFFEFD0];
	[tilespmem:s18+$0xB0] =	vst v2  }
0xbb: {  	s8 =	sand.u32 $0x3, s23;
	s4 =	simm.s32 @!p0 $0x0;
	v2 =	vld [tilespmem:s21+$0xFFFFEFE0];
	[tilespmem:s7+$0x100] =	vst v3  }
0xbc: {  	s20 =	sadd.s32 $0x200, s20;
	s8 =	sshll.u32 s8, $0x5;
	s4 =	sshll.u32 s4, $0x6;
	v3 =	vld [tilespmem:s21+$0xFFFFDFD0];
	[tilespmem:s18+$0x130] =	vst v4  }
0xbd: {  	s9 =	sadd.s32 s8, s20;
	s30 =	sadd.s32 s4, s22;
	v4 =	vld [tilespmem:s21+$0xFFFFDFE0];
	[tilespmem:s7+$0x180] =	vst v5  }
0xbe: {  	s4 =	sadd.s32 $0x10, s30;
	s10 =	sadd.s32 $0x30, s30;
	s7 =	sor.u32 $0x200, s9;
	v5 =	vld [tilespmem:s21+$0xFFFFCFD0];
	[tilespmem:s18+$0x1B0] =	vst v6  }
0xbf: {  	s28 =	sor.u32 $0x200, s4;
	s26 =	sor.u32 $0x280, s4;
	v6 =	vld [tilespmem:s21+$0xFFFFCFE0];
	[tilespmem:s7+$0x8000] =	vst v7;
	s7 =	sor.u32 $0x200, s10  }
0xc0: {  	s25 =	sor.u32 $0x300, s4;
	s24 =	sor.u32 $0x380, s4;
	s4 =	sor.u32 $0x280, s9;
	v7 =	vld [tilespmem:s21+$0xFFFFBFD0];
	[tilespmem:s7+$0x8000] =	vst v8  }
0xc1: {  	s8 =	sor.u32 $0x200, s30;
	s11 =	sor.u32 $0x280, s10;
	s7 =	sor.u32 $0x280, s30;
	v8 =	vld [tilespmem:s21+$0xFFFFBFE0];
	[tilespmem:s4+$0x8000] =	vst v9  }
0xc2: {  	s4 =	sor.u32 $0x300, s30;
	s30 =	sor.u32 $0x380, s30;
	v9 =	vld [tilespmem:s21+$0xFFFFAFD0];
	[tilespmem:s11+$0x8000] =	vst v10;
	s11 =	sor.u32 $0x300, s9  }
.Ltmp0:
0xc3: {  	v10 =	vld [tilespmem:s21+$0xFFFFAFE0];
	[tilespmem:s11+$0x8000] =	vst v11;
	s11 =	sor.u32 $0x300, s10;
	(pc) =	sbr.rel @p1 .LBB2_2-.Ltmp0, $4  }
0xc4: {  	s9 =	sor.u32 $0x380, s9;
	v11 =	vld [tilespmem:s21+$0xFFFF9FD0];
	[tilespmem:s11+$0x8000] =	vst v12  }
0xc5: {  	v12 =	vld [tilespmem:s21+$0xFFFF9FE0];
	[tilespmem:s9+$0x8000] =	vst v13;
	s9 =	sor.u32 $0x380, s10  }
0xc6: {  	v13 =	vld [tilespmem:s21+$0xFFFF8FD0];
	[tilespmem:s9+$0x8000] =	vst v14  }
0xc7: {  	v14 =	vld [tilespmem:s21+$0xFFFF8FE0];
	[tilespmem:s18+$0x0] =	vst v15;
	s21 =	sadd.s32 $0x40, s21  }
0xc8: {  	[tilespmem:s18+$0x10] =	vst v0  }
0xc9: {  	[tilespmem:s18+$0x80] =	vst v1  }
0xca: {  	[tilespmem:s18+$0x90] =	vst v2  }
0xcb: {  	[tilespmem:s18+$0x100] =	vst v3  }
0xcc: {  	[tilespmem:s18+$0x110] =	vst v4  }
0xcd: {  	[tilespmem:s18+$0x180] =	vst v5  }
0xce: {  	[tilespmem:s18+$0x190] =	vst v6  }
0xcf: {  	[tilespmem:s8+$0x8000] =	vst v7  }
0xd0: {  	[tilespmem:s28+$0x8000] =	vst v8  }
0xd1: {  	[tilespmem:s7+$0x8000] =	vst v9  }
0xd2: {  	[tilespmem:s26+$0x8000] =	vst v10  }
0xd3: {  	[tilespmem:s4+$0x8000] =	vst v11  }
0xd4: {  	[tilespmem:s25+$0x8000] =	vst v12  }
0xd5: {  	s3 =	simm.s32 $0x0;
	[tilespmem:s30+$0x8000] =	vst v13  }
0xd6: {  	s18 =	smov.u32 s19;
	s20 =	simm.s32 $0x0;
	s30 =	simm.s32 $0x8000;
	[tilespmem:s24+$0x8000] =	vst v14  }
0xd7: {  	[hbm4b:s14+s3] =	stream.linear.scatter [tilespmem:s30], [sflag:$0x2], $0x4000, $0x38;
	[tilespmem:$0x10000] =	vst v63  }
.LBB2_4:
0xd8: {  	s23 =	sshra.s32 s18, $0x2  }
0xd9: {  	s26 =	sadd.s32 $0x0, s23  }
0xda: {  	v1 =	vld [tilespmem:s26+$0x7810]  }
0xdb: {  	v2 =	vld [tilespmem:s26+$0x7820]  }
0xdc: {  	v3 =	vld [tilespmem:s26+$0x6810]  }
0xdd: {  	v4 =	vld [tilespmem:s26+$0x6820]  }
0xde: {  	s21 =	sadd.s32 s20, s15;
	v6 =	vld [tilespmem:s26+$0x5810]  }
0xdf: {  	s4 =	sxor.u32 $0xFFFFFFFF, s21;
	v7 =	vld [tilespmem:s26+$0x5820]  }
0xe0: {  	s4 =	sshll.u32 s4, $0x5;
	v8 =	vld [tilespmem:s26+$0x4810]  }
0xe1: {  	v9 =	vld [tilespmem:s26+$0x4820];
	s4 =	sand.u32 $0x1FE0, s4  }
0xe2: {  	v10 =	vld [tilespmem:s26+$0x3810];
	s4 =	sadd.s32 $0xC0, s4  }
0xe3: {  	v11 =	vld [tilespmem:s26+$0x3820];
	s4 =	sshrl.u32 s4, $0x2  }
0xe4: {  	s20 =	sadd.s32 $0x1, s20;
	v12 =	vld [tilespmem:s26+$0x2810];
	v0 =	vmov s4  }
0xe5: {  	s7 =	sshll.u32 s20, $0xE;
	v13 =	vld [tilespmem:s26+$0x2820]  }
0xe6: {  	s7 =	sand.u32 $0x4000, s7;
	v15 =	vld [tilespmem:s26+$0x1810]  }
0xe7: {  	s30 =	sand.u32 $0x3C00, s3;
	s8 =	simm.s32 $0x20;
	v17 =	vld [tilespmem:s26+$0x1820];
	s22 =	sor.u32 $0x8000, s7  }
0xe8: {  	s25 =	simm.s32 $0x0;
	s8 =	sand.u32 $0x60, s8;
	v18 =	vld [tilespmem:s26+$0x77F0];
	s7 =	sadd.s32 s30, s22  }
0xe9: {  	s9 =	sand.u32 $0x40, s25;
	s8 =	sadd.s32 s8, s7;
	v5 =	vld.idx.msk [tilespmem:v0+s3+$0xFFFFFFF0 ss:$0x1], $0xffff  }
0xea: {  	s24 =	sadd.s32 s9, s7;
	v16 =	vld.idx.msk [tilespmem:v0+s3+$0x0 ss:$0x1], $0xffff;
	[tilespmem:s8+$0x0] =	vst v1  }
0xeb: {  	v14 =	vld [tilespmem:s26+$0x2800];
	[tilespmem:s24+$0x30] =	vst v2  }
0xec: {  	v1 =	vld [tilespmem:s26+$0x7800];
	[tilespmem:s8+$0x80] =	vst v3  }
0xed: {  	v2 =	vld [tilespmem:s26+$0x67F0];
	[tilespmem:s24+$0xB0] =	vst v4  }
0xee: {  	v3 =	vld [tilespmem:s26+$0x6800];
	[tilespmem:s8+$0x100] =	vst v6  }
0xef: {  	v4 =	vld [tilespmem:s26+$0x57F0];
	[tilespmem:s24+$0x130] =	vst v7  }
0xf0: {  	v6 =	vld [tilespmem:s26+$0x5800];
	[tilespmem:s8+$0x180] =	vst v8  }
0xf1: {  	v7 =	vld [tilespmem:s26+$0x47F0];
	[tilespmem:s24+$0x1B0] =	vst v9  }
0xf2: {  	v8 =	vld [tilespmem:s26+$0x4800];
	[tilespmem:s8+$0x200] =	vst v10  }
0xf3: {  	v9 =	vld.idx.msk [tilespmem:v0+s3+$0xFFFFFFD0 ss:$0x1], $0xffff;
	[tilespmem:s24+$0x230] =	vst v11  }
0xf4: {  	v10 =	vld [tilespmem:s26+$0x37F0];
	[tilespmem:s8+$0x280] =	vst v12  }
0xf5: {  	v11 =	vld [tilespmem:s26+$0x3800];
	[tilespmem:s24+$0x2B0] =	vst v13  }
0xf6: {  	v12 =	vld [tilespmem:s26+$0x27F0];
	[tilespmem:s8+$0x300] =	vst v15  }
0xf7: {  	v13 =	vld [tilespmem:s26+$0x1800];
	[tilespmem:s24+$0x330] =	vst v17  }
0xf8: {  	v15 =	vld [tilespmem:s26+$0x17F0];
	[tilespmem:s8+$0x380] =	vst v5  }
0xf9: {  	v5 =	vld.idx.msk [tilespmem:v0+s3+$0xFFFFFFE0 ss:$0x1], $0xffff;
	[tilespmem:s24+$0x0] =	vst v18  }
0xfa: {  	s28 =	simm.s32 $0x0;
	s26 =	simm.s32 $0x40;
	[tilespmem:s24+$0x3B0] =	vst v16  }
.LBB2_5:
0xfb: {  	v16 =	vld.idx.msk [tilespmem:v0+s26+$0xFFFFFFF0 ss:$0x1], $0xffff;
	[tilespmem:s24+$0x10] =	vst v1  }
0xfc: {  	s30 =	sadd.s32 s23, s26;
	v17 =	vld.idx.msk [tilespmem:v0+s26+$0x0 ss:$0x1], $0xffff;
	[tilespmem:s24+$0x80] =	vst v2  }
0xfd: {  	v1 =	vld [tilespmem:s30+$0x7810];
	[tilespmem:s24+$0x90] =	vst v3  }
0xfe: {  	v2 =	vld [tilespmem:s30+$0x7820];
	[tilespmem:s24+$0x100] =	vst v4  }
0xff: {  	v3 =	vld [tilespmem:s30+$0x6810];
	[tilespmem:s24+$0x110] =	vst v6  }
0x100: {  	v4 =	vld [tilespmem:s30+$0x6820];
	[tilespmem:s24+$0x180] =	vst v7  }
0x101: {  	v6 =	vld [tilespmem:s30+$0x5810];
	[tilespmem:s24+$0x190] =	vst v8  }
0x102: {  	v7 =	vld [tilespmem:s30+$0x5820];
	[tilespmem:s24+$0x200] =	vst v10  }
0x103: {  	v8 =	vld [tilespmem:s30+$0x4810];
	[tilespmem:s24+$0x210] =	vst v11  }
0x104: {  	v10 =	vld [tilespmem:s30+$0x4820];
	[tilespmem:s24+$0x280] =	vst v12  }
0x105: {  	v11 =	vld [tilespmem:s30+$0x3810];
	[tilespmem:s24+$0x290] =	vst v14  }
0x106: {  	s28 =	sadd.s32 $0x200, s28;
	v12 =	vld [tilespmem:s30+$0x3820];
	[tilespmem:s24+$0x300] =	vst v15  }
0x107: {  	s7 =	sadd.s32 $0x60, s25;
	s4 =	sand.u32 $0x3C00, s28;
	v14 =	vld [tilespmem:s30+$0x2810];
	[tilespmem:s24+$0x310] =	vst v13  }
0x108: {  	s25 =	sadd.s32 $0x40, s25;
	s7 =	sand.u32 $0x60, s7;
	s4 =	sadd.s32 s4, s22;
	v13 =	vld [tilespmem:s30+$0x2820];
	[tilespmem:s24+$0x380] =	vst v9  }
0x109: {  	s8 =	sand.u32 $0x40, s25;
	p0 =	slt.u32 s25, $0x7C0;
	s7 =	sadd.s32 s7, s4;
	v9 =	vld [tilespmem:s30+$0x1810];
	[tilespmem:s24+$0x390] =	vst v5  }
0x10a: {  	s24 =	sadd.s32 s8, s4;
	v5 =	vld [tilespmem:s30+$0x1820];
	[tilespmem:s7+$0x0] =	vst v1  }
0x10b: {  	v18 =	vld [tilespmem:s30+$0x77F0];
	[tilespmem:s24+$0x30] =	vst v2  }
0x10c: {  	v1 =	vld [tilespmem:s30+$0x7800];
	[tilespmem:s7+$0x80] =	vst v3  }
0x10d: {  	v2 =	vld [tilespmem:s30+$0x67F0];
	[tilespmem:s24+$0xB0] =	vst v4  }
0x10e: {  	v3 =	vld [tilespmem:s30+$0x6800];
	[tilespmem:s7+$0x100] =	vst v6  }
0x10f: {  	v4 =	vld [tilespmem:s30+$0x57F0];
	[tilespmem:s24+$0x130] =	vst v7  }
0x110: {  	v6 =	vld [tilespmem:s30+$0x5800];
	[tilespmem:s7+$0x180] =	vst v8  }
0x111: {  	v7 =	vld [tilespmem:s30+$0x47F0];
	[tilespmem:s24+$0x1B0] =	vst v10  }
0x112: {  	v8 =	vld [tilespmem:s30+$0x4800];
	[tilespmem:s7+$0x200] =	vst v11  }
0x113: {  	v10 =	vld [tilespmem:s30+$0x37F0];
	[tilespmem:s24+$0x230] =	vst v12  }
0x114: {  	v11 =	vld [tilespmem:s30+$0x3800];
	[tilespmem:s7+$0x280] =	vst v14  }
0x115: {  	v12 =	vld [tilespmem:s30+$0x27F0];
	[tilespmem:s24+$0x2B0] =	vst v13  }
.Ltmp1:
0x116: {  	v14 =	vld [tilespmem:s30+$0x2800];
	[tilespmem:s7+$0x300] =	vst v9;
	(pc) =	sbr.rel @p0 .LBB2_5-.Ltmp1, $4  }
0x117: {  	v15 =	vld [tilespmem:s30+$0x17F0];
	[tilespmem:s24+$0x330] =	vst v5  }
0x118: {  	v13 =	vld [tilespmem:s30+$0x1800];
	[tilespmem:s7+$0x380] =	vst v16  }
0x119: {  	v9 =	vld.idx.msk [tilespmem:v0+s26+$0xFFFFFFD0 ss:$0x1], $0xffff;
	[tilespmem:s24+$0x3B0] =	vst v17  }
0x11a: {  	v5 =	vld.idx.msk [tilespmem:v0+s26+$0xFFFFFFE0 ss:$0x1], $0xffff;
	[tilespmem:s24+$0x0] =	vst v18;
	s26 =	sadd.s32 $0x40, s26  }
0x11b: {  	[tilespmem:s24+$0x10] =	vst v1  }
0x11c: {  	[tilespmem:s24+$0x80] =	vst v2  }
0x11d: {  	[tilespmem:s24+$0x90] =	vst v3  }
0x11e: {  	[tilespmem:s24+$0x100] =	vst v4  }
0x11f: {  	[tilespmem:s24+$0x110] =	vst v6  }
0x120: {  	[tilespmem:s24+$0x180] =	vst v7  }
0x121: {  	[tilespmem:s24+$0x190] =	vst v8  }
0x122: {  	[tilespmem:s24+$0x200] =	vst v10  }
0x123: {  	[tilespmem:s24+$0x210] =	vst v11  }
0x124: {  	[tilespmem:s24+$0x280] =	vst v12  }
0x125: {  	[tilespmem:s24+$0x290] =	vst v14  }
0x126: {  	[tilespmem:s24+$0x300] =	vst v15  }
0x127: {  	s4 =	sshll.u32 s21, $0xB;
	[tilespmem:s24+$0x310] =	vst v13  }
0x128: {  	p0 =	sne.s32 s20, $0x7F;
	s4 =	sand.u32 $0xFFFF800, s4;
	[tilespmem:s24+$0x380] =	vst v9  }
.Ltmp2:
0x129: {  	s4 =	sadd.s32 s1, s4;
	[tilespmem:s24+$0x390] =	vst v5;
	(pc) =	sbr.rel @p0 .LBB2_4-.Ltmp2, $4  }
0x12a: {  	[hbm4b:s4+s2] =	stream.linear.scatter [tilespmem:s22], [sflag:$0x2], $0x4000, $0x38;
	[tilespmem:$0x10000] =	vst v63  }
0x12b: {  	_ =	swait.ge [sflag:s31], $0x4000  }
0x12c: {  	[sflag:s31] =	ssyncset.done $0x0  }
0x12d: {  	s18 =	sadd.s32 $0xFFFFFFE0, s18;
	[sflag:s31] =	ssyncadd.s32 $0xFFFFC000  }
0x12e: {  	s0 =	sadd.s32 $0x1, s0  }
0x12f: {  	p0 =	sne.s32 s0, s16  }
.Ltmp3:
0x130: {  	_ = 	snop;
	(pc) =	sbr.rel @p0 .LBB2_1-.Ltmp3, $4  }
0x131: {  	_ = 	snop  }
0x132: {  	_ =	swait.ge [sflag:s31], $0x4000  }
0x133: {  	[sflag:s31] =	ssyncset.done $0x0  }
0x134: {  	[sflag:s31] =	ssyncadd.s32 $0xFFFFC000  }
0x135: {  	_ =	sfence.sel $0x180000  }
0x136: {  	[bflag:$0x0] =	sbarrier.arrive $0xFFFF  }
0x137: {  	_ =	strace $0x90000047  }
0x138: {  	s0 =	stileid.u32;
	[bflag:$0x2] =	sbarrier.arrive $0xFFFF  }
0x139: {  	p0 =	sne.s32 s0, $0x0;
	s0 =	rddreg [dreg:$0x2]  }
0x13a: {  	s0 =	sadd.s32 @!p0 $0x100000, s0  }
0x13b: {  	[sflag:s0] =	ssyncadd.tile.s32 @!p0 $0x1;
	_ =	shalt  }
.Lfunc_end2:
_tile_overlayer_lowered:
.L_overlay_start_2:
0x13c: {  	(tag) =	ssettag $0x2  }
0x13d: {  	s0 =	rddreg [dreg:$0x0];
	s2 =	stileid.u32  }
0x13e: {  	s1 =	rddreg [dreg:$0x1];
	p0 =	sne.s32 s2, $0x0  }
0x13f: {  	s3 =	rddreg [dreg:$0x2];
	[bflag:$0x3] =	sbarrier.arrive $0xFFFF;
	s2 =	simm.s32 @!p0 $0x1C03  }
0x140: {  	[timem:s3], [sflag:s2] =	dma.local @!p0 [hbm:s0], s1  }
0x141: {  	s0 =	simm.s32 @!p0 $0x3  }
0x142: {  	_ =	swait.ge @!p0 [sflag:s0], s1  }
0x143: {  	s1 =	ssub.s32 @!p0 $0x0, s1;
	[sflag:s0] =	ssyncset.done @!p0 $0x0  }
0x144: {  	[sflag:s0] =	ssyncadd.s32 @!p0 s1  }
0x145: {  	[bflag:$0x3] =	sbarrier.arrive $0xFFFF  }
0x146: {  	_ =	shalt  }

</sc_bundles>
